<compile_context>
chip_gen: v7x
topology: tpu7x:2x2x1
jax: 0.10.2.dev20260603
libtpu: 0.0.44.dev20260713+nightly
codegen_flags: <defaults>
</compile_context>

<pallas_src>
import functools

import jax
import jax.numpy as jnp
from jax import lax
from jax.experimental import pallas as pl
from jax.experimental.pallas import tpu as pltpu
from jax.experimental.pallas import tpu_sc as plsc


_K = 9
_TR = 256
_NW = 32
_RW = 128


def _tc_body(xrow_ref, xall_ref, wbd_ref, b_ref, out1_ref, y_ref, idx_ref):
    xrow = xrow_ref[0]
    xall = xall_ref[0]
    n = xall.shape[0]

    nall = jnp.sqrt(jnp.sum(xall * xall, axis=1, keepdims=True))
    xn_all = xall / jnp.maximum(nall, 1e-12)
    nrow = jnp.sqrt(jnp.sum(xrow * xrow, axis=1, keepdims=True))
    xn_row = xrow / jnp.maximum(nrow, 1e-12)
    inner = lax.dot_general(
        xn_row, xn_all, (((1,), (1,)), ((), ())),
        preferred_element_type=jnp.float32,
    )
    sq_all = jnp.sum(xn_all * xn_all, axis=1)
    sq_row = jnp.sum(xn_row * xn_row, axis=1)
    neg = -((sq_row[:, None] + (-2.0) * inner) + sq_all[None, :])

    zrow = lax.dot_general(
        xrow, wbd_ref[...], (((1,), (1,)), ((), ())),
        preferred_element_type=jnp.float32,
    )
    bvec = b_ref[0]
    out1_ref[0] = jnp.maximum(zrow[:, :48] + bvec[None, :48], 0.0)
    y_ref[0, :, :48] = zrow[:, 48:]

    iotaf = lax.broadcasted_iota(jnp.int32, (xrow.shape[0], n), 1).astype(jnp.float32)
    gbase = (pl.program_id(0) * n).astype(jnp.float32)
    for t in range(_K):
        m = jnp.max(neg, axis=1, keepdims=True)
        eqm = neg == m
        ids = jnp.where(eqm, iotaf, 0.0)
        idxf = jnp.max(ids, axis=1)
        neg = jnp.where(eqm, -3.0e38, neg)
        idx_ref[0, t, :] = (idxf + gbase).astype(jnp.int32)


def _sc_body(y_hbm, idx_hbm, b2_hbm, out2_hbm,
             idx_v, buf_v, cent_v, bias_v, out_v, sem0, sem1):
    cid = lax.axis_index("c")
    sid = lax.axis_index("s")
    wid = cid * 16 + sid
    base = wid * _RW

    pltpu.sync_copy(idx_hbm.at[wid], idx_v)
    pltpu.sync_copy(y_hbm.at[pl.ds(base, _RW)], cent_v)
    pltpu.sync_copy(b2_hbm, bias_v)

    def pre(i, carry):
        for c in range(3):
            sl = pl.ds(c * 16, 16)
            cent_v[i, sl] = cent_v[i, sl] - bias_v[sl]
        return carry

    lax.fori_loop(0, _RW, pre, 0)

    sems = [sem0, sem1]
    cp = pltpu.async_copy(y_hbm.at[idx_v.at[0]], buf_v.at[0], sems[0])
    for k in range(_K):
        cpn = None
        if k + 1 < _K:
            nb = (k + 1) % 2
            cpn = pltpu.async_copy(y_hbm.at[idx_v.at[k + 1]], buf_v.at[nb], sems[nb])
        cp.wait()
        kb = k % 2
        if k == 0:
            def body0(i, carry):
                for c in range(3):
                    sl = pl.ds(c * 16, 16)
                    out_v[i, sl] = jnp.maximum(buf_v[kb, i, sl] - cent_v[i, sl], 0.0)
                return carry
            lax.fori_loop(0, _RW, body0, 0)
        else:
            def bodyk(i, carry, kb=kb):
                for c in range(3):
                    sl = pl.ds(c * 16, 16)
                    out_v[i, sl] = out_v[i, sl] + jnp.maximum(
                        buf_v[kb, i, sl] - cent_v[i, sl], 0.0)
                return carry
            lax.fori_loop(0, _RW, bodyk, 0)
        cp = cpn

    def fin(i, carry):
        for c in range(3):
            sl = pl.ds(c * 16, 16)
            out_v[i, sl] = out_v[i, sl] * (1.0 / _K)
        return carry

    lax.fori_loop(0, _RW, fin, 0)
    pltpu.sync_copy(out_v, out2_hbm.at[pl.ds(base, _RW)])


def kernel(x, W, b):
    Bb, Cc, Hh, Ww = x.shape
    N = Hh * Ww
    Cout = W.shape[0]
    half = Cc // 2

    xt = jnp.transpose(x.reshape(Bb, Cc, N), (0, 2, 1))

    Wbd = jnp.zeros((Cout, Cc), dtype=W.dtype)
    Wbd = Wbd.at[0:24, 0:half].set(W[0:24])
    Wbd = Wbd.at[24:48, half:Cc].set(W[24:48])
    Wbd = Wbd.at[48:72, 0:half].set(W[48:72])
    Wbd = Wbd.at[72:96, half:Cc].set(W[72:96])

    nt = N // _TR
    out1, y, idx = pl.pallas_call(
        _tc_body,
        grid=(Bb, nt),
        in_specs=[
            pl.BlockSpec((1, _TR, Cc), lambda i, r: (i, r, 0)),
            pl.BlockSpec((1, N, Cc), lambda i, r: (i, 0, 0)),
            pl.BlockSpec((Cout, Cc), lambda i, r: (0, 0)),
            pl.BlockSpec((1, Cout), lambda i, r: (0, 0)),
        ],
        out_specs=[
            pl.BlockSpec((1, _TR, 48), lambda i, r: (i, r, 0)),
            pl.BlockSpec((1, _TR, 128), lambda i, r: (i, r, 0)),
            pl.BlockSpec((1, _K, _TR), lambda i, r: (i, 0, r)),
        ],
        out_shape=[
            jax.ShapeDtypeStruct((Bb, N, 48), jnp.float32),
            jax.ShapeDtypeStruct((Bb, N, 128), jnp.float32),
            jax.ShapeDtypeStruct((Bb, _K, N), jnp.int32),
        ],
    )(xt, xt, Wbd, b.reshape(1, Cout))

    chunks = N // _RW
    idxw = (
        idx.reshape(Bb, _K, chunks, _RW)
        .transpose(0, 2, 1, 3)
        .reshape(_NW, _K, _RW)
    )
    y2 = y.reshape(Bb * N, 128)

    mesh = plsc.VectorSubcoreMesh(
        core_axis_name="c", subcore_axis_name="s", num_cores=2, num_subcores=16
    )
    sc = functools.partial(
        pl.kernel,
        mesh=mesh,
        out_type=jax.ShapeDtypeStruct((Bb * N, 128), jnp.float32),
        scratch_types=[
            pltpu.VMEM((_K, _RW), jnp.int32),
            pltpu.VMEM((2, _RW, 128), jnp.float32),
            pltpu.VMEM((_RW, 128), jnp.float32),
            pltpu.VMEM((48,), jnp.float32),
            pltpu.VMEM((_RW, 128), jnp.float32),
            pltpu.SemaphoreType.DMA,
            pltpu.SemaphoreType.DMA,
        ],
    )(_sc_body)
    out2 = sc(y2, idxw, b[48:])

    out = jnp.concatenate([out1, out2.reshape(Bb, N, 128)[:, :, :48]], axis=2)
    return jnp.transpose(out, (0, 2, 1)).reshape(Bb, Cout, Hh, Ww)

# --- scband reference (transcript-rebuilt; emitter-appended) ---
"""Pipeline reference for scband-dy-graph-conv2d-69509750718745 (READ-ONLY COPY).

The authoritative reference and input builder live on the scoring server;
editing this copy changes nothing except your own understanding.
"""

import jax, jax.numpy as jnp
import numpy as np

B, C, H, Wd = 4, 96, 32, 32
COUT = 96
K = 9
GROUPS = 4


def setup_inputs(seed: int = 0) -> dict:
    key = jax.random.key(seed)
    k1, k2, k3 = jax.random.split(key, 3)
    x = jax.random.normal(k1, (B, C, H, Wd), dtype=jnp.float32)
    fan_in = (2 * C) // GROUPS
    W = jax.random.normal(k2, (COUT, (2 * C) // GROUPS), dtype=jnp.float32) * np.sqrt(2.0 / fan_in)
    b = jnp.zeros((COUT,), dtype=jnp.float32)
    return {"x": x, "W": W, "b": b}


def reference(x, W, b):
    Bb, Cc, Hh, Ww = x.shape
    N = Hh * Ww
    k = K
    groups = GROUPS
    xr = x.reshape(Bb, Cc, N)  # [B, C, N] (squeezed trailing 1)
    # --- DenseDilatedKnnGraph: normalize over channel dim, pairwise distance, topk ---
    xn = xr / jnp.maximum(jnp.linalg.norm(xr, axis=1, keepdims=True), 1e-12)
    xt = jnp.transpose(xn, (0, 2, 1))  # [B, N, C]
    x_inner = -2.0 * jnp.matmul(xt, jnp.transpose(xt, (0, 2, 1)))
    x_sq = jnp.sum(xt * xt, axis=-1, keepdims=True)
    dist = x_sq + x_inner + jnp.transpose(x_sq, (0, 2, 1))  # [B, N, N]
    _, nn_idx = jax.lax.top_k(-dist, k)  # [B, N, k]
    nn_idx = jax.lax.stop_gradient(nn_idx)
    center_idx = jnp.broadcast_to(jnp.arange(N)[None, :, None], (Bb, N, k))
    # dilation=1 -> edge_index[..., ::1] is identity
    # --- EdgeConv2d: batched_index_select gathers ---
    def bis(xb, ib):
        return xb[:, ib]  # [C, N, k]
    x_i = jax.vmap(bis)(xr, center_idx)  # [B, C, N, k]
    x_j = jax.vmap(bis)(xr, nn_idx)      # [B, C, N, k]
    feat = jnp.concatenate([x_i, x_j - x_i], axis=1)  # [B, 2C, N, k]
    Cin2 = 2 * Cc
    Cout = W.shape[0]
    fg = feat.reshape(Bb, groups, Cin2 // groups, N, k)
    Wg = W.reshape(groups, Cout // groups, Cin2 // groups)
    out = jnp.einsum('bgint,goi->bgont', fg, Wg).reshape(Bb, Cout, N, k)
    out = out + b[None, :, None, None]
    out = jax.nn.relu(out)
    out = jnp.mean(out, axis=-1, keepdims=True)  # [B, Cout, N, 1]
    return out.reshape(Bb, Cout, Hh, Ww)

if __name__ == "__main__":
    import jax
    _d = setup_inputs()
    print(jax.jit(kernel)(*tuple(_d.values())))

</pallas_src>

<mosaic_0001>
#map = affine_map<(d0, d1) -> (0, 0)>
#map1 = affine_map<(d0, d1) -> (0, 0, 0)>
#map2 = affine_map<(d0, d1) -> (0)>
module attributes {stable_mosaic.version = 14 : i64} {
  func.func @_sc_body(%arg0: i32, %arg1: i32, %arg2: memref<4096x128xf32, #tpu.memory_space<hbm>>, %arg3: memref<32x9x128xi32, #tpu.memory_space<hbm>>, %arg4: memref<48xf32, #tpu.memory_space<hbm>>, %arg5: memref<4096x128xf32, #tpu.memory_space<hbm>>, %arg6: memref<9x128xi32, #tpu.memory_space<vmem>>, %arg7: memref<2x128x128xf32, #tpu.memory_space<vmem>>, %arg8: memref<128x128xf32, #tpu.memory_space<vmem>>, %arg9: memref<48xf32, #tpu.memory_space<vmem>>, %arg10: memref<128x128xf32, #tpu.memory_space<vmem>>, %arg11: memref<!tpu.dma_semaphore, #tpu.memory_space<semaphore_mem>>, %arg12: memref<!tpu.dma_semaphore, #tpu.memory_space<semaphore_mem>>) attributes {dimension_semantics = [#tpu.dimension_semantics<core_parallel>, #tpu.dimension_semantics<subcore_parallel>], iteration_bounds = array<i64: 2, 16>, scalar_prefetch = 0 : i64, scratch_operands = 7 : i64, tpu.core_type = #tpu.core_type<sc_vector_subcore>, window_params = [{transform_indices = #map}, {transform_indices = #map1}, {transform_indices = #map2}, {transform_indices = #map}]} {
    %mul3A = arith.constant 16 : i32
    %mul3A_0 = arith.muli %arg0, %mul3A : i32
    %add3A = arith.addi %mul3A_0, %arg1 : i32
    %mul3A_1 = arith.constant 128 : i32
    %mul3A_2 = arith.muli %add3A, %mul3A_1 : i32
    "tpu.region"() ({
      %run_scoped3A = tpu.sem_alloc : memref<!tpu.dma_semaphore, #tpu.memory_space<semaphore_mem>>
      %dma_start3A_282 = arith.constant 0 : i32
      %dma_start3A_283 = arith.constant 0 : i32
      %dma_start3A_284 = tpu.memref_slice %arg3[%add3A, %dma_start3A_282, %dma_start3A_283] : memref<32x9x128xi32, #tpu.memory_space<hbm>> -> memref<1x9x128xi32, #tpu.memory_space<hbm>>
      %dma_start3A_285 = tpu.memref_squeeze %dma_start3A_284 : memref<1x9x128xi32, #tpu.memory_space<hbm>> -> memref<9x128xi32, #tpu.memory_space<hbm>>
      %dma_start3A_286 = arith.constant 0 : i32
      %dma_start3A_287 = arith.constant 0 : i32
      %dma_start3A_288 = tpu.memref_slice %arg3[%add3A, %dma_start3A_286, %dma_start3A_287] : memref<32x9x128xi32, #tpu.memory_space<hbm>> -> memref<1x9x128xi32, #tpu.memory_space<hbm>>
      %dma_start3A_289 = tpu.memref_squeeze %dma_start3A_288 : memref<1x9x128xi32, #tpu.memory_space<hbm>> -> memref<9x128xi32, #tpu.memory_space<hbm>>
      tpu.enqueue_dma source(%dma_start3A_289 : memref<9x128xi32, #tpu.memory_space<hbm>>) target(%arg6 : memref<9x128xi32, #tpu.memory_space<vmem>>) target_semaphore(%run_scoped3A : memref<!tpu.dma_semaphore, #tpu.memory_space<semaphore_mem>>)
      %dma_wait3A_290 = arith.constant 0 : i32
      %dma_wait3A_291 = arith.constant 0 : i32
      %dma_wait3A_292 = tpu.memref_slice %arg3[%add3A, %dma_wait3A_290, %dma_wait3A_291] : memref<32x9x128xi32, #tpu.memory_space<hbm>> -> memref<1x9x128xi32, #tpu.memory_space<hbm>>
      %dma_wait3A_293 = tpu.memref_squeeze %dma_wait3A_292 : memref<1x9x128xi32, #tpu.memory_space<hbm>> -> memref<9x128xi32, #tpu.memory_space<hbm>>
      %dma_wait3A_294 = arith.constant 0 : i32
      %dma_wait3A_295 = arith.constant 0 : i32
      %dma_wait3A_296 = tpu.memref_slice %arg3[%add3A, %dma_wait3A_294, %dma_wait3A_295] : memref<32x9x128xi32, #tpu.memory_space<hbm>> -> memref<1x9x128xi32, #tpu.memory_space<hbm>>
      %dma_wait3A_297 = tpu.memref_squeeze %dma_wait3A_296 : memref<1x9x128xi32, #tpu.memory_space<hbm>> -> memref<9x128xi32, #tpu.memory_space<hbm>>
      tpu.wait_dma2 semaphore(%run_scoped3A : memref<!tpu.dma_semaphore, #tpu.memory_space<semaphore_mem>>) src(%dma_wait3A_297 : memref<9x128xi32, #tpu.memory_space<hbm>>) dst(%arg6 : memref<9x128xi32, #tpu.memory_space<vmem>>)
      tpu.yield
    }) : () -> ()
    "tpu.region"() ({
      %run_scoped3A = tpu.sem_alloc : memref<!tpu.dma_semaphore, #tpu.memory_space<semaphore_mem>>
      %dma_start3A_282 = arith.constant 0 : i32
      %dma_start3A_283 = tpu.memref_slice %arg2[%mul3A_2, %dma_start3A_282] : memref<4096x128xf32, #tpu.memory_space<hbm>> -> memref<128x128xf32, #tpu.memory_space<hbm>>
      %dma_start3A_284 = arith.constant 0 : i32
      %dma_start3A_285 = tpu.memref_slice %arg2[%mul3A_2, %dma_start3A_284] : memref<4096x128xf32, #tpu.memory_space<hbm>> -> memref<128x128xf32, #tpu.memory_space<hbm>>
      tpu.enqueue_dma source(%dma_start3A_285 : memref<128x128xf32, #tpu.memory_space<hbm>>) target(%arg8 : memref<128x128xf32, #tpu.memory_space<vmem>>) target_semaphore(%run_scoped3A : memref<!tpu.dma_semaphore, #tpu.memory_space<semaphore_mem>>)
      %dma_wait3A_286 = arith.constant 0 : i32
      %dma_wait3A_287 = tpu.memref_slice %arg2[%mul3A_2, %dma_wait3A_286] : memref<4096x128xf32, #tpu.memory_space<hbm>> -> memref<128x128xf32, #tpu.memory_space<hbm>>
      %dma_wait3A_288 = arith.constant 0 : i32
      %dma_wait3A_289 = tpu.memref_slice %arg2[%mul3A_2, %dma_wait3A_288] : memref<4096x128xf32, #tpu.memory_space<hbm>> -> memref<128x128xf32, #tpu.memory_space<hbm>>
      tpu.wait_dma2 semaphore(%run_scoped3A : memref<!tpu.dma_semaphore, #tpu.memory_space<semaphore_mem>>) src(%dma_wait3A_289 : memref<128x128xf32, #tpu.memory_space<hbm>>) dst(%arg8 : memref<128x128xf32, #tpu.memory_space<vmem>>)
      tpu.yield
    }) : () -> ()
    "tpu.region"() ({
      %run_scoped3A = tpu.sem_alloc : memref<!tpu.dma_semaphore, #tpu.memory_space<semaphore_mem>>
      tpu.enqueue_dma source(%arg4 : memref<48xf32, #tpu.memory_space<hbm>>) target(%arg9 : memref<48xf32, #tpu.memory_space<vmem>>) target_semaphore(%run_scoped3A : memref<!tpu.dma_semaphore, #tpu.memory_space<semaphore_mem>>)
      tpu.wait_dma2 semaphore(%run_scoped3A : memref<!tpu.dma_semaphore, #tpu.memory_space<semaphore_mem>>) src(%arg4 : memref<48xf32, #tpu.memory_space<hbm>>) dst(%arg9 : memref<48xf32, #tpu.memory_space<vmem>>)
      tpu.yield
    }) : () -> ()
    %scan3A = arith.constant 0 : i32
    %scan3A_3 = arith.constant 0 : i32
    %scan3A_4 = arith.constant 128 : i32
    %scan3A_5 = arith.addi %scan3A_3, %scan3A_4 : i32
    %scan3A_6 = arith.constant 1 : i32
    scf.for %scan3A_282 = %scan3A_3 to %scan3A_5 step %scan3A_6  : i32 {
      %get3A = arith.index_cast %scan3A_282 : i32 to index
      %get3A_283 = arith.constant 0 : index
      %get3A_284 = tpu.vector_load %arg8[%get3A, %get3A_283] {strides = array<i32>} : memref<128x128xf32, #tpu.memory_space<vmem>>, vector<1x16xf32>,
      %get3A_285 = vector.shape_cast %get3A_284 : vector<1x16xf32> to vector<16xf32>
      %get3A_286 = arith.constant 0 : index
      %get3A_287 = tpu.vector_load %arg9[%get3A_286] {strides = array<i32>} : memref<48xf32, #tpu.memory_space<vmem>>, vector<16xf32>,
      %get3A_288 = vector.shape_cast %get3A_287 : vector<16xf32> to vector<16xf32>
      %sub3A = arith.subf %get3A_285, %get3A_288 : vector<16xf32>
      %swap3A = arith.index_cast %scan3A_282 : i32 to index
      %swap3A_289 = arith.constant 0 : index
      %swap3A_290 = tpu.vector_load %arg8[%swap3A, %swap3A_289] {strides = array<i32>} : memref<128x128xf32, #tpu.memory_space<vmem>>, vector<1x16xf32>,
      %swap3A_291 = vector.shape_cast %swap3A_290 : vector<1x16xf32> to vector<16xf32>
      %swap3A_292 = vector.shape_cast %sub3A : vector<16xf32> to vector<1x16xf32>
      tpu.vector_store %arg8[%swap3A, %swap3A_289], %swap3A_292 {strides = array<i32>} : memref<128x128xf32, #tpu.memory_space<vmem>>, vector<1x16xf32>,
      %get3A_293 = arith.index_cast %scan3A_282 : i32 to index
      %get3A_294 = arith.constant 16 : index
      %get3A_295 = tpu.vector_load %arg8[%get3A_293, %get3A_294] {strides = array<i32>} : memref<128x128xf32, #tpu.memory_space<vmem>>, vector<1x16xf32>,
      %get3A_296 = vector.shape_cast %get3A_295 : vector<1x16xf32> to vector<16xf32>
      %get3A_297 = arith.constant 16 : index
      %get3A_298 = tpu.vector_load %arg9[%get3A_297] {strides = array<i32>} : memref<48xf32, #tpu.memory_space<vmem>>, vector<16xf32>,
      %get3A_299 = vector.shape_cast %get3A_298 : vector<16xf32> to vector<16xf32>
      %sub3A_300 = arith.subf %get3A_296, %get3A_299 : vector<16xf32>
      %swap3A_301 = arith.index_cast %scan3A_282 : i32 to index
      %swap3A_302 = arith.constant 16 : index
      %swap3A_303 = tpu.vector_load %arg8[%swap3A_301, %swap3A_302] {strides = array<i32>} : memref<128x128xf32, #tpu.memory_space<vmem>>, vector<1x16xf32>,
      %swap3A_304 = vector.shape_cast %swap3A_303 : vector<1x16xf32> to vector<16xf32>
      %swap3A_305 = vector.shape_cast %sub3A_300 : vector<16xf32> to vector<1x16xf32>
      tpu.vector_store %arg8[%swap3A_301, %swap3A_302], %swap3A_305 {strides = array<i32>} : memref<128x128xf32, #tpu.memory_space<vmem>>, vector<1x16xf32>,
      %get3A_306 = arith.index_cast %scan3A_282 : i32 to index
      %get3A_307 = arith.constant 32 : index
      %get3A_308 = tpu.vector_load %arg8[%get3A_306, %get3A_307] {strides = array<i32>} : memref<128x128xf32, #tpu.memory_space<vmem>>, vector<1x16xf32>,
      %get3A_309 = vector.shape_cast %get3A_308 : vector<1x16xf32> to vector<16xf32>
      %get3A_310 = arith.constant 32 : index
      %get3A_311 = tpu.vector_load %arg9[%get3A_310] {strides = array<i32>} : memref<48xf32, #tpu.memory_space<vmem>>, vector<16xf32>,
      %get3A_312 = vector.shape_cast %get3A_311 : vector<16xf32> to vector<16xf32>
      %sub3A_313 = arith.subf %get3A_309, %get3A_312 : vector<16xf32>
      %swap3A_314 = arith.index_cast %scan3A_282 : i32 to index
      %swap3A_315 = arith.constant 32 : index
      %swap3A_316 = tpu.vector_load %arg8[%swap3A_314, %swap3A_315] {strides = array<i32>} : memref<128x128xf32, #tpu.memory_space<vmem>>, vector<1x16xf32>,
      %swap3A_317 = vector.shape_cast %swap3A_316 : vector<1x16xf32> to vector<16xf32>
      %swap3A_318 = vector.shape_cast %sub3A_313 : vector<16xf32> to vector<1x16xf32>
      tpu.vector_store %arg8[%swap3A_314, %swap3A_315], %swap3A_318 {strides = array<i32>} : memref<128x128xf32, #tpu.memory_space<vmem>>, vector<1x16xf32>,
    }
    %scan3A_7 = arith.constant 128 : i32
    %dma_start3A = arith.constant 0 : i32
    %dma_start3A_8 = arith.constant 0 : i32
    %dma_start3A_9 = arith.constant 0 : i32
    %dma_start3A_10 = arith.constant 0 : i32
    %dma_start3A_11 = tpu.memref_slice %arg7[%dma_start3A_8, %dma_start3A_9, %dma_start3A_10] : memref<2x128x128xf32, #tpu.memory_space<vmem>> -> memref<1x128x128xf32, #tpu.memory_space<vmem>>
    %dma_start3A_12 = tpu.memref_squeeze %dma_start3A_11 : memref<1x128x128xf32, #tpu.memory_space<vmem>> -> memref<128x128xf32, #tpu.memory_space<vmem>>
    %dma_start3A_13 = arith.constant 0 : i32
    %dma_start3A_14 = tpu.memref_slice %arg6[%dma_start3A, %dma_start3A_13] : memref<9x128xi32, #tpu.memory_space<vmem>> -> memref<1x128xi32, #tpu.memory_space<vmem>>
    %dma_start3A_15 = tpu.memref_squeeze %dma_start3A_14 : memref<1x128xi32, #tpu.memory_space<vmem>> -> memref<128xi32, #tpu.memory_space<vmem>>
    %dma_start3A_16 = arith.constant 0 : i32
    %dma_start3A_17 = arith.constant 0 : i32
    %dma_start3A_18 = tpu.memref_slice %arg2[%dma_start3A_16, %dma_start3A_17] : memref<4096x128xf32, #tpu.memory_space<hbm>> -> memref<4096x128xf32, #tpu.memory_space<hbm>>
    tpu.enqueue_indirect_dma source(%dma_start3A_18 : memref<4096x128xf32, #tpu.memory_space<hbm>>) target(%dma_start3A_12 : memref<128x128xf32, #tpu.memory_space<vmem>>) offsets(%dma_start3A_15 : memref<128xi32, #tpu.memory_space<vmem>>) semaphore(%arg11 : memref<!tpu.dma_semaphore, #tpu.memory_space<semaphore_mem>>)
    %dma_start3A_19 = arith.constant 1 : i32
    %dma_start3A_20 = arith.constant 1 : i32
    %dma_start3A_21 = arith.constant 0 : i32
    %dma_start3A_22 = arith.constant 0 : i32
    %dma_start3A_23 = tpu.memref_slice %arg7[%dma_start3A_20, %dma_start3A_21, %dma_start3A_22] : memref<2x128x128xf32, #tpu.memory_space<vmem>> -> memref<1x128x128xf32, #tpu.memory_space<vmem>>
    %dma_start3A_24 = tpu.memref_squeeze %dma_start3A_23 : memref<1x128x128xf32, #tpu.memory_space<vmem>> -> memref<128x128xf32, #tpu.memory_space<vmem>>
    %dma_start3A_25 = arith.constant 0 : i32
    %dma_start3A_26 = tpu.memref_slice %arg6[%dma_start3A_19, %dma_start3A_25] : memref<9x128xi32, #tpu.memory_space<vmem>> -> memref<1x128xi32, #tpu.memory_space<vmem>>
    %dma_start3A_27 = tpu.memref_squeeze %dma_start3A_26 : memref<1x128xi32, #tpu.memory_space<vmem>> -> memref<128xi32, #tpu.memory_space<vmem>>
    %dma_start3A_28 = arith.constant 0 : i32
    %dma_start3A_29 = arith.constant 0 : i32
    %dma_start3A_30 = tpu.memref_slice %arg2[%dma_start3A_28, %dma_start3A_29] : memref<4096x128xf32, #tpu.memory_space<hbm>> -> memref<4096x128xf32, #tpu.memory_space<hbm>>
    tpu.enqueue_indirect_dma source(%dma_start3A_30 : memref<4096x128xf32, #tpu.memory_space<hbm>>) target(%dma_start3A_24 : memref<128x128xf32, #tpu.memory_space<vmem>>) offsets(%dma_start3A_27 : memref<128xi32, #tpu.memory_space<vmem>>) semaphore(%arg12 : memref<!tpu.dma_semaphore, #tpu.memory_space<semaphore_mem>>)
    %dma_wait3A = arith.constant 0 : i32
    %dma_wait3A_31 = arith.constant 0 : i32
    %dma_wait3A_32 = arith.constant 0 : i32
    %dma_wait3A_33 = arith.constant 0 : i32
    %dma_wait3A_34 = tpu.memref_slice %arg7[%dma_wait3A_31, %dma_wait3A_32, %dma_wait3A_33] : memref<2x128x128xf32, #tpu.memory_space<vmem>> -> memref<1x128x128xf32, #tpu.memory_space<vmem>>
    %dma_wait3A_35 = tpu.memref_squeeze %dma_wait3A_34 : memref<1x128x128xf32, #tpu.memory_space<vmem>> -> memref<128x128xf32, #tpu.memory_space<vmem>>
    %dma_wait3A_36 = arith.constant 0 : i32
    %dma_wait3A_37 = tpu.memref_slice %arg6[%dma_wait3A, %dma_wait3A_36] : memref<9x128xi32, #tpu.memory_space<vmem>> -> memref<1x128xi32, #tpu.memory_space<vmem>>
    %dma_wait3A_38 = tpu.memref_squeeze %dma_wait3A_37 : memref<1x128xi32, #tpu.memory_space<vmem>> -> memref<128xi32, #tpu.memory_space<vmem>>
    %dma_wait3A_39 = arith.constant 0 : i32
    %dma_wait3A_40 = arith.constant 0 : i32
    %dma_wait3A_41 = tpu.memref_slice %arg2[%dma_wait3A_39, %dma_wait3A_40] : memref<4096x128xf32, #tpu.memory_space<hbm>> -> memref<4096x128xf32, #tpu.memory_space<hbm>>
    tpu.wait_indirect_dma semaphore(%arg11 : memref<!tpu.dma_semaphore, #tpu.memory_space<semaphore_mem>>) src(%dma_wait3A_41 : memref<4096x128xf32, #tpu.memory_space<hbm>>) dst(%dma_wait3A_35 : memref<128x128xf32, #tpu.memory_space<vmem>>)
    %scan3A_42 = arith.constant 0 : i32
    %scan3A_43 = arith.constant 0 : i32
    %scan3A_44 = arith.constant 128 : i32
    %scan3A_45 = arith.addi %scan3A_43, %scan3A_44 : i32
    %scan3A_46 = arith.constant 1 : i32
    scf.for %scan3A_282 = %scan3A_43 to %scan3A_45 step %scan3A_46  : i32 {
      %get3A = arith.constant 0 : i32
      %get3A_283 = arith.index_cast %get3A : i32 to index
      %get3A_284 = arith.index_cast %scan3A_282 : i32 to index
      %get3A_285 = arith.constant 0 : index
      %get3A_286 = tpu.vector_load %arg7[%get3A_283, %get3A_284, %get3A_285] {strides = array<i32>} : memref<2x128x128xf32, #tpu.memory_space<vmem>>, vector<1x1x16xf32>,
      %get3A_287 = vector.shape_cast %get3A_286 : vector<1x1x16xf32> to vector<16xf32>
      %get3A_288 = arith.index_cast %scan3A_282 : i32 to index
      %get3A_289 = arith.constant 0 : index
      %get3A_290 = tpu.vector_load %arg8[%get3A_288, %get3A_289] {strides = array<i32>} : memref<128x128xf32, #tpu.memory_space<vmem>>, vector<1x16xf32>,
      %get3A_291 = vector.shape_cast %get3A_290 : vector<1x16xf32> to vector<16xf32>
      %sub3A = arith.subf %get3A_287, %get3A_291 : vector<16xf32>
      %max3A = arith.constant 0.000000e+00 : f32
      %max3A_292 = vector.broadcast %max3A : f32 to vector<16xf32>
      %max3A_293 = arith.maximumf %sub3A, %max3A_292 : vector<16xf32>
      %swap3A = arith.index_cast %scan3A_282 : i32 to index
      %swap3A_294 = arith.constant 0 : index
      %swap3A_295 = tpu.vector_load %arg10[%swap3A, %swap3A_294] {strides = array<i32>} : memref<128x128xf32, #tpu.memory_space<vmem>>, vector<1x16xf32>,
      %swap3A_296 = vector.shape_cast %swap3A_295 : vector<1x16xf32> to vector<16xf32>
      %swap3A_297 = vector.shape_cast %max3A_293 : vector<16xf32> to vector<1x16xf32>
      tpu.vector_store %arg10[%swap3A, %swap3A_294], %swap3A_297 {strides = array<i32>} : memref<128x128xf32, #tpu.memory_space<vmem>>, vector<1x16xf32>,
      %get3A_298 = arith.constant 0 : i32
      %get3A_299 = arith.index_cast %get3A_298 : i32 to index
      %get3A_300 = arith.index_cast %scan3A_282 : i32 to index
      %get3A_301 = arith.constant 16 : index
      %get3A_302 = tpu.vector_load %arg7[%get3A_299, %get3A_300, %get3A_301] {strides = array<i32>} : memref<2x128x128xf32, #tpu.memory_space<vmem>>, vector<1x1x16xf32>,
      %get3A_303 = vector.shape_cast %get3A_302 : vector<1x1x16xf32> to vector<16xf32>
      %get3A_304 = arith.index_cast %scan3A_282 : i32 to index
      %get3A_305 = arith.constant 16 : index
      %get3A_306 = tpu.vector_load %arg8[%get3A_304, %get3A_305] {strides = array<i32>} : memref<128x128xf32, #tpu.memory_space<vmem>>, vector<1x16xf32>,
      %get3A_307 = vector.shape_cast %get3A_306 : vector<1x16xf32> to vector<16xf32>
      %sub3A_308 = arith.subf %get3A_303, %get3A_307 : vector<16xf32>
      %max3A_309 = arith.constant 0.000000e+00 : f32
      %max3A_310 = vector.broadcast %max3A_309 : f32 to vector<16xf32>
      %max3A_311 = arith.maximumf %sub3A_308, %max3A_310 : vector<16xf32>
      %swap3A_312 = arith.index_cast %scan3A_282 : i32 to index
      %swap3A_313 = arith.constant 16 : index
      %swap3A_314 = tpu.vector_load %arg10[%swap3A_312, %swap3A_313] {strides = array<i32>} : memref<128x128xf32, #tpu.memory_space<vmem>>, vector<1x16xf32>,
      %swap3A_315 = vector.shape_cast %swap3A_314 : vector<1x16xf32> to vector<16xf32>
      %swap3A_316 = vector.shape_cast %max3A_311 : vector<16xf32> to vector<1x16xf32>
      tpu.vector_store %arg10[%swap3A_312, %swap3A_313], %swap3A_316 {strides = array<i32>} : memref<128x128xf32, #tpu.memory_space<vmem>>, vector<1x16xf32>,
      %get3A_317 = arith.constant 0 : i32
      %get3A_318 = arith.index_cast %get3A_317 : i32 to index
      %get3A_319 = arith.index_cast %scan3A_282 : i32 to index
      %get3A_320 = arith.constant 32 : index
      %get3A_321 = tpu.vector_load %arg7[%get3A_318, %get3A_319, %get3A_320] {strides = array<i32>} : memref<2x128x128xf32, #tpu.memory_space<vmem>>, vector<1x1x16xf32>,
      %get3A_322 = vector.shape_cast %get3A_321 : vector<1x1x16xf32> to vector<16xf32>
      %get3A_323 = arith.index_cast %scan3A_282 : i32 to index
      %get3A_324 = arith.constant 32 : index
      %get3A_325 = tpu.vector_load %arg8[%get3A_323, %get3A_324] {strides = array<i32>} : memref<128x128xf32, #tpu.memory_space<vmem>>, vector<1x16xf32>,
      %get3A_326 = vector.shape_cast %get3A_325 : vector<1x16xf32> to vector<16xf32>
      %sub3A_327 = arith.subf %get3A_322, %get3A_326 : vector<16xf32>
      %max3A_328 = arith.constant 0.000000e+00 : f32
      %max3A_329 = vector.broadcast %max3A_328 : f32 to vector<16xf32>
      %max3A_330 = arith.maximumf %sub3A_327, %max3A_329 : vector<16xf32>
      %swap3A_331 = arith.index_cast %scan3A_282 : i32 to index
      %swap3A_332 = arith.constant 32 : index
      %swap3A_333 = tpu.vector_load %arg10[%swap3A_331, %swap3A_332] {strides = array<i32>} : memref<128x128xf32, #tpu.memory_space<vmem>>, vector<1x16xf32>,
      %swap3A_334 = vector.shape_cast %swap3A_333 : vector<1x16xf32> to vector<16xf32>
      %swap3A_335 = vector.shape_cast %max3A_330 : vector<16xf32> to vector<1x16xf32>
      tpu.vector_store %arg10[%swap3A_331, %swap3A_332], %swap3A_335 {strides = array<i32>} : memref<128x128xf32, #tpu.memory_space<vmem>>, vector<1x16xf32>,
    }
    %scan3A_47 = arith.constant 128 : i32
    %dma_start3A_48 = arith.constant 2 : i32
    %dma_start3A_49 = arith.constant 0 : i32
    %dma_start3A_50 = arith.constant 0 : i32
    %dma_start3A_51 = arith.constant 0 : i32
    %dma_start3A_52 = tpu.memref_slice %arg7[%dma_start3A_49, %dma_start3A_50, %dma_start3A_51] : memref<2x128x128xf32, #tpu.memory_space<vmem>> -> memref<1x128x128xf32, #tpu.memory_space<vmem>>
    %dma_start3A_53 = tpu.memref_squeeze %dma_start3A_52 : memref<1x128x128xf32, #tpu.memory_space<vmem>> -> memref<128x128xf32, #tpu.memory_space<vmem>>
    %dma_start3A_54 = arith.constant 0 : i32
    %dma_start3A_55 = tpu.memref_slice %arg6[%dma_start3A_48, %dma_start3A_54] : memref<9x128xi32, #tpu.memory_space<vmem>> -> memref<1x128xi32, #tpu.memory_space<vmem>>
    %dma_start3A_56 = tpu.memref_squeeze %dma_start3A_55 : memref<1x128xi32, #tpu.memory_space<vmem>> -> memref<128xi32, #tpu.memory_space<vmem>>
    %dma_start3A_57 = arith.constant 0 : i32
    %dma_start3A_58 = arith.constant 0 : i32
    %dma_start3A_59 = tpu.memref_slice %arg2[%dma_start3A_57, %dma_start3A_58] : memref<4096x128xf32, #tpu.memory_space<hbm>> -> memref<4096x128xf32, #tpu.memory_space<hbm>>
    tpu.enqueue_indirect_dma source(%dma_start3A_59 : memref<4096x128xf32, #tpu.memory_space<hbm>>) target(%dma_start3A_53 : memref<128x128xf32, #tpu.memory_space<vmem>>) offsets(%dma_start3A_56 : memref<128xi32, #tpu.memory_space<vmem>>) semaphore(%arg11 : memref<!tpu.dma_semaphore, #tpu.memory_space<semaphore_mem>>)
    %dma_wait3A_60 = arith.constant 1 : i32
    %dma_wait3A_61 = arith.constant 1 : i32
    %dma_wait3A_62 = arith.constant 0 : i32
    %dma_wait3A_63 = arith.constant 0 : i32
    %dma_wait3A_64 = tpu.memref_slice %arg7[%dma_wait3A_61, %dma_wait3A_62, %dma_wait3A_63] : memref<2x128x128xf32, #tpu.memory_space<vmem>> -> memref<1x128x128xf32, #tpu.memory_space<vmem>>
    %dma_wait3A_65 = tpu.memref_squeeze %dma_wait3A_64 : memref<1x128x128xf32, #tpu.memory_space<vmem>> -> memref<128x128xf32, #tpu.memory_space<vmem>>
    %dma_wait3A_66 = arith.constant 0 : i32
    %dma_wait3A_67 = tpu.memref_slice %arg6[%dma_wait3A_60, %dma_wait3A_66] : memref<9x128xi32, #tpu.memory_space<vmem>> -> memref<1x128xi32, #tpu.memory_space<vmem>>
    %dma_wait3A_68 = tpu.memref_squeeze %dma_wait3A_67 : memref<1x128xi32, #tpu.memory_space<vmem>> -> memref<128xi32, #tpu.memory_space<vmem>>
    %dma_wait3A_69 = arith.constant 0 : i32
    %dma_wait3A_70 = arith.constant 0 : i32
    %dma_wait3A_71 = tpu.memref_slice %arg2[%dma_wait3A_69, %dma_wait3A_70] : memref<4096x128xf32, #tpu.memory_space<hbm>> -> memref<4096x128xf32, #tpu.memory_space<hbm>>
    tpu.wait_indirect_dma semaphore(%arg12 : memref<!tpu.dma_semaphore, #tpu.memory_space<semaphore_mem>>) src(%dma_wait3A_71 : memref<4096x128xf32, #tpu.memory_space<hbm>>) dst(%dma_wait3A_65 : memref<128x128xf32, #tpu.memory_space<vmem>>)
    %scan3A_72 = arith.constant 0 : i32
    %scan3A_73 = arith.constant 0 : i32
    %scan3A_74 = arith.constant 128 : i32
    %scan3A_75 = arith.addi %scan3A_73, %scan3A_74 : i32
    %scan3A_76 = arith.constant 1 : i32
    scf.for %scan3A_282 = %scan3A_73 to %scan3A_75 step %scan3A_76  : i32 {
      %get3A = arith.index_cast %scan3A_282 : i32 to index
      %get3A_283 = arith.constant 0 : index
      %get3A_284 = tpu.vector_load %arg10[%get3A, %get3A_283] {strides = array<i32>} : memref<128x128xf32, #tpu.memory_space<vmem>>, vector<1x16xf32>,
      %get3A_285 = vector.shape_cast %get3A_284 : vector<1x16xf32> to vector<16xf32>
      %get3A_286 = arith.constant 1 : i32
      %get3A_287 = arith.index_cast %get3A_286 : i32 to index
      %get3A_288 = arith.index_cast %scan3A_282 : i32 to index
      %get3A_289 = arith.constant 0 : index
      %get3A_290 = tpu.vector_load %arg7[%get3A_287, %get3A_288, %get3A_289] {strides = array<i32>} : memref<2x128x128xf32, #tpu.memory_space<vmem>>, vector<1x1x16xf32>,
      %get3A_291 = vector.shape_cast %get3A_290 : vector<1x1x16xf32> to vector<16xf32>
      %get3A_292 = arith.index_cast %scan3A_282 : i32 to index
      %get3A_293 = arith.constant 0 : index
      %get3A_294 = tpu.vector_load %arg8[%get3A_292, %get3A_293] {strides = array<i32>} : memref<128x128xf32, #tpu.memory_space<vmem>>, vector<1x16xf32>,
      %get3A_295 = vector.shape_cast %get3A_294 : vector<1x16xf32> to vector<16xf32>
      %sub3A = arith.subf %get3A_291, %get3A_295 : vector<16xf32>
      %max3A = arith.constant 0.000000e+00 : f32
      %max3A_296 = vector.broadcast %max3A : f32 to vector<16xf32>
      %max3A_297 = arith.maximumf %sub3A, %max3A_296 : vector<16xf32>
      %add3A_298 = arith.addf %get3A_285, %max3A_297 : vector<16xf32>
      %swap3A = arith.index_cast %scan3A_282 : i32 to index
      %swap3A_299 = arith.constant 0 : index
      %swap3A_300 = tpu.vector_load %arg10[%swap3A, %swap3A_299] {strides = array<i32>} : memref<128x128xf32, #tpu.memory_space<vmem>>, vector<1x16xf32>,
      %swap3A_301 = vector.shape_cast %swap3A_300 : vector<1x16xf32> to vector<16xf32>
      %swap3A_302 = vector.shape_cast %add3A_298 : vector<16xf32> to vector<1x16xf32>
      tpu.vector_store %arg10[%swap3A, %swap3A_299], %swap3A_302 {strides = array<i32>} : memref<128x128xf32, #tpu.memory_space<vmem>>, vector<1x16xf32>,
      %get3A_303 = arith.index_cast %scan3A_282 : i32 to index
      %get3A_304 = arith.constant 16 : index
      %get3A_305 = tpu.vector_load %arg10[%get3A_303, %get3A_304] {strides = array<i32>} : memref<128x128xf32, #tpu.memory_space<vmem>>, vector<1x16xf32>,
      %get3A_306 = vector.shape_cast %get3A_305 : vector<1x16xf32> to vector<16xf32>
      %get3A_307 = arith.constant 1 : i32
      %get3A_308 = arith.index_cast %get3A_307 : i32 to index
      %get3A_309 = arith.index_cast %scan3A_282 : i32 to index
      %get3A_310 = arith.constant 16 : index
      %get3A_311 = tpu.vector_load %arg7[%get3A_308, %get3A_309, %get3A_310] {strides = array<i32>} : memref<2x128x128xf32, #tpu.memory_space<vmem>>, vector<1x1x16xf32>,
      %get3A_312 = vector.shape_cast %get3A_311 : vector<1x1x16xf32> to vector<16xf32>
      %get3A_313 = arith.index_cast %scan3A_282 : i32 to index
      %get3A_314 = arith.constant 16 : index
      %get3A_315 = tpu.vector_load %arg8[%get3A_313, %get3A_314] {strides = array<i32>} : memref<128x128xf32, #tpu.memory_space<vmem>>, vector<1x16xf32>,
      %get3A_316 = vector.shape_cast %get3A_315 : vector<1x16xf32> to vector<16xf32>
      %sub3A_317 = arith.subf %get3A_312, %get3A_316 : vector<16xf32>
      %max3A_318 = arith.constant 0.000000e+00 : f32
      %max3A_319 = vector.broadcast %max3A_318 : f32 to vector<16xf32>
      %max3A_320 = arith.maximumf %sub3A_317, %max3A_319 : vector<16xf32>
      %add3A_321 = arith.addf %get3A_306, %max3A_320 : vector<16xf32>
      %swap3A_322 = arith.index_cast %scan3A_282 : i32 to index
      %swap3A_323 = arith.constant 16 : index
      %swap3A_324 = tpu.vector_load %arg10[%swap3A_322, %swap3A_323] {strides = array<i32>} : memref<128x128xf32, #tpu.memory_space<vmem>>, vector<1x16xf32>,
      %swap3A_325 = vector.shape_cast %swap3A_324 : vector<1x16xf32> to vector<16xf32>
      %swap3A_326 = vector.shape_cast %add3A_321 : vector<16xf32> to vector<1x16xf32>
      tpu.vector_store %arg10[%swap3A_322, %swap3A_323], %swap3A_326 {strides = array<i32>} : memref<128x128xf32, #tpu.memory_space<vmem>>, vector<1x16xf32>,
      %get3A_327 = arith.index_cast %scan3A_282 : i32 to index
      %get3A_328 = arith.constant 32 : index
      %get3A_329 = tpu.vector_load %arg10[%get3A_327, %get3A_328] {strides = array<i32>} : memref<128x128xf32, #tpu.memory_space<vmem>>, vector<1x16xf32>,
      %get3A_330 = vector.shape_cast %get3A_329 : vector<1x16xf32> to vector<16xf32>
      %get3A_331 = arith.constant 1 : i32
      %get3A_332 = arith.index_cast %get3A_331 : i32 to index
      %get3A_333 = arith.index_cast %scan3A_282 : i32 to index
      %get3A_334 = arith.constant 32 : index
      %get3A_335 = tpu.vector_load %arg7[%get3A_332, %get3A_333, %get3A_334] {strides = array<i32>} : memref<2x128x128xf32, #tpu.memory_space<vmem>>, vector<1x1x16xf32>,
      %get3A_336 = vector.shape_cast %get3A_335 : vector<1x1x16xf32> to vector<16xf32>
      %get3A_337 = arith.index_cast %scan3A_282 : i32 to index
      %get3A_338 = arith.constant 32 : index
      %get3A_339 = tpu.vector_load %arg8[%get3A_337, %get3A_338] {strides = array<i32>} : memref<128x128xf32, #tpu.memory_space<vmem>>, vector<1x16xf32>,
      %get3A_340 = vector.shape_cast %get3A_339 : vector<1x16xf32> to vector<16xf32>
      %sub3A_341 = arith.subf %get3A_336, %get3A_340 : vector<16xf32>
      %max3A_342 = arith.constant 0.000000e+00 : f32
      %max3A_343 = vector.broadcast %max3A_342 : f32 to vector<16xf32>
      %max3A_344 = arith.maximumf %sub3A_341, %max3A_343 : vector<16xf32>
      %add3A_345 = arith.addf %get3A_330, %max3A_344 : vector<16xf32>
      %swap3A_346 = arith.index_cast %scan3A_282 : i32 to index
      %swap3A_347 = arith.constant 32 : index
      %swap3A_348 = tpu.vector_load %arg10[%swap3A_346, %swap3A_347] {strides = array<i32>} : memref<128x128xf32, #tpu.memory_space<vmem>>, vector<1x16xf32>,
      %swap3A_349 = vector.shape_cast %swap3A_348 : vector<1x16xf32> to vector<16xf32>
      %swap3A_350 = vector.shape_cast %add3A_345 : vector<16xf32> to vector<1x16xf32>
      tpu.vector_store %arg10[%swap3A_346, %swap3A_347], %swap3A_350 {strides = array<i32>} : memref<128x128xf32, #tpu.memory_space<vmem>>, vector<1x16xf32>,
    }
    %scan3A_77 = arith.constant 128 : i32
    %dma_start3A_78 = arith.constant 3 : i32
    %dma_start3A_79 = arith.constant 1 : i32
    %dma_start3A_80 = arith.constant 0 : i32
    %dma_start3A_81 = arith.constant 0 : i32
    %dma_start3A_82 = tpu.memref_slice %arg7[%dma_start3A_79, %dma_start3A_80, %dma_start3A_81] : memref<2x128x128xf32, #tpu.memory_space<vmem>> -> memref<1x128x128xf32, #tpu.memory_space<vmem>>
    %dma_start3A_83 = tpu.memref_squeeze %dma_start3A_82 : memref<1x128x128xf32, #tpu.memory_space<vmem>> -> memref<128x128xf32, #tpu.memory_space<vmem>>
    %dma_start3A_84 = arith.constant 0 : i32
    %dma_start3A_85 = tpu.memref_slice %arg6[%dma_start3A_78, %dma_start3A_84] : memref<9x128xi32, #tpu.memory_space<vmem>> -> memref<1x128xi32, #tpu.memory_space<vmem>>
    %dma_start3A_86 = tpu.memref_squeeze %dma_start3A_85 : memref<1x128xi32, #tpu.memory_space<vmem>> -> memref<128xi32, #tpu.memory_space<vmem>>
    %dma_start3A_87 = arith.constant 0 : i32
    %dma_start3A_88 = arith.constant 0 : i32
    %dma_start3A_89 = tpu.memref_slice %arg2[%dma_start3A_87, %dma_start3A_88] : memref<4096x128xf32, #tpu.memory_space<hbm>> -> memref<4096x128xf32, #tpu.memory_space<hbm>>
    tpu.enqueue_indirect_dma source(%dma_start3A_89 : memref<4096x128xf32, #tpu.memory_space<hbm>>) target(%dma_start3A_83 : memref<128x128xf32, #tpu.memory_space<vmem>>) offsets(%dma_start3A_86 : memref<128xi32, #tpu.memory_space<vmem>>) semaphore(%arg12 : memref<!tpu.dma_semaphore, #tpu.memory_space<semaphore_mem>>)
    %dma_wait3A_90 = arith.constant 2 : i32
    %dma_wait3A_91 = arith.constant 0 : i32
    %dma_wait3A_92 = arith.constant 0 : i32
    %dma_wait3A_93 = arith.constant 0 : i32
    %dma_wait3A_94 = tpu.memref_slice %arg7[%dma_wait3A_91, %dma_wait3A_92, %dma_wait3A_93] : memref<2x128x128xf32, #tpu.memory_space<vmem>> -> memref<1x128x128xf32, #tpu.memory_space<vmem>>
    %dma_wait3A_95 = tpu.memref_squeeze %dma_wait3A_94 : memref<1x128x128xf32, #tpu.memory_space<vmem>> -> memref<128x128xf32, #tpu.memory_space<vmem>>
    %dma_wait3A_96 = arith.constant 0 : i32
    %dma_wait3A_97 = tpu.memref_slice %arg6[%dma_wait3A_90, %dma_wait3A_96] : memref<9x128xi32, #tpu.memory_space<vmem>> -> memref<1x128xi32, #tpu.memory_space<vmem>>
    %dma_wait3A_98 = tpu.memref_squeeze %dma_wait3A_97 : memref<1x128xi32, #tpu.memory_space<vmem>> -> memref<128xi32, #tpu.memory_space<vmem>>
    %dma_wait3A_99 = arith.constant 0 : i32
    %dma_wait3A_100 = arith.constant 0 : i32
    %dma_wait3A_101 = tpu.memref_slice %arg2[%dma_wait3A_99, %dma_wait3A_100] : memref<4096x128xf32, #tpu.memory_space<hbm>> -> memref<4096x128xf32, #tpu.memory_space<hbm>>
    tpu.wait_indirect_dma semaphore(%arg11 : memref<!tpu.dma_semaphore, #tpu.memory_space<semaphore_mem>>) src(%dma_wait3A_101 : memref<4096x128xf32, #tpu.memory_space<hbm>>) dst(%dma_wait3A_95 : memref<128x128xf32, #tpu.memory_space<vmem>>)
    %scan3A_102 = arith.constant 0 : i32
    %scan3A_103 = arith.constant 0 : i32
    %scan3A_104 = arith.constant 128 : i32
    %scan3A_105 = arith.addi %scan3A_103, %scan3A_104 : i32
    %scan3A_106 = arith.constant 1 : i32
    scf.for %scan3A_282 = %scan3A_103 to %scan3A_105 step %scan3A_106  : i32 {
      %get3A = arith.index_cast %scan3A_282 : i32 to index
      %get3A_283 = arith.constant 0 : index
      %get3A_284 = tpu.vector_load %arg10[%get3A, %get3A_283] {strides = array<i32>} : memref<128x128xf32, #tpu.memory_space<vmem>>, vector<1x16xf32>,
      %get3A_285 = vector.shape_cast %get3A_284 : vector<1x16xf32> to vector<16xf32>
      %get3A_286 = arith.constant 0 : i32
      %get3A_287 = arith.index_cast %get3A_286 : i32 to index
      %get3A_288 = arith.index_cast %scan3A_282 : i32 to index
      %get3A_289 = arith.constant 0 : index
      %get3A_290 = tpu.vector_load %arg7[%get3A_287, %get3A_288, %get3A_289] {strides = array<i32>} : memref<2x128x128xf32, #tpu.memory_space<vmem>>, vector<1x1x16xf32>,
      %get3A_291 = vector.shape_cast %get3A_290 : vector<1x1x16xf32> to vector<16xf32>
      %get3A_292 = arith.index_cast %scan3A_282 : i32 to index
      %get3A_293 = arith.constant 0 : index
      %get3A_294 = tpu.vector_load %arg8[%get3A_292, %get3A_293] {strides = array<i32>} : memref<128x128xf32, #tpu.memory_space<vmem>>, vector<1x16xf32>,
      %get3A_295 = vector.shape_cast %get3A_294 : vector<1x16xf32> to vector<16xf32>
      %sub3A = arith.subf %get3A_291, %get3A_295 : vector<16xf32>
      %max3A = arith.constant 0.000000e+00 : f32
      %max3A_296 = vector.broadcast %max3A : f32 to vector<16xf32>
      %max3A_297 = arith.maximumf %sub3A, %max3A_296 : vector<16xf32>
      %add3A_298 = arith.addf %get3A_285, %max3A_297 : vector<16xf32>
      %swap3A = arith.index_cast %scan3A_282 : i32 to index
      %swap3A_299 = arith.constant 0 : index
      %swap3A_300 = tpu.vector_load %arg10[%swap3A, %swap3A_299] {strides = array<i32>} : memref<128x128xf32, #tpu.memory_space<vmem>>, vector<1x16xf32>,
      %swap3A_301 = vector.shape_cast %swap3A_300 : vector<1x16xf32> to vector<16xf32>
      %swap3A_302 = vector.shape_cast %add3A_298 : vector<16xf32> to vector<1x16xf32>
      tpu.vector_store %arg10[%swap3A, %swap3A_299], %swap3A_302 {strides = array<i32>} : memref<128x128xf32, #tpu.memory_space<vmem>>, vector<1x16xf32>,
      %get3A_303 = arith.index_cast %scan3A_282 : i32 to index
      %get3A_304 = arith.constant 16 : index
      %get3A_305 = tpu.vector_load %arg10[%get3A_303, %get3A_304] {strides = array<i32>} : memref<128x128xf32, #tpu.memory_space<vmem>>, vector<1x16xf32>,
      %get3A_306 = vector.shape_cast %get3A_305 : vector<1x16xf32> to vector<16xf32>
      %get3A_307 = arith.constant 0 : i32
      %get3A_308 = arith.index_cast %get3A_307 : i32 to index
      %get3A_309 = arith.index_cast %scan3A_282 : i32 to index
      %get3A_310 = arith.constant 16 : index
      %get3A_311 = tpu.vector_load %arg7[%get3A_308, %get3A_309, %get3A_310] {strides = array<i32>} : memref<2x128x128xf32, #tpu.memory_space<vmem>>, vector<1x1x16xf32>,
      %get3A_312 = vector.shape_cast %get3A_311 : vector<1x1x16xf32> to vector<16xf32>
      %get3A_313 = arith.index_cast %scan3A_282 : i32 to index
      %get3A_314 = arith.constant 16 : index
      %get3A_315 = tpu.vector_load %arg8[%get3A_313, %get3A_314] {strides = array<i32>} : memref<128x128xf32, #tpu.memory_space<vmem>>, vector<1x16xf32>,
      %get3A_316 = vector.shape_cast %get3A_315 : vector<1x16xf32> to vector<16xf32>
      %sub3A_317 = arith.subf %get3A_312, %get3A_316 : vector<16xf32>
      %max3A_318 = arith.constant 0.000000e+00 : f32
      %max3A_319 = vector.broadcast %max3A_318 : f32 to vector<16xf32>
      %max3A_320 = arith.maximumf %sub3A_317, %max3A_319 : vector<16xf32>
      %add3A_321 = arith.addf %get3A_306, %max3A_320 : vector<16xf32>
      %swap3A_322 = arith.index_cast %scan3A_282 : i32 to index
      %swap3A_323 = arith.constant 16 : index
      %swap3A_324 = tpu.vector_load %arg10[%swap3A_322, %swap3A_323] {strides = array<i32>} : memref<128x128xf32, #tpu.memory_space<vmem>>, vector<1x16xf32>,
      %swap3A_325 = vector.shape_cast %swap3A_324 : vector<1x16xf32> to vector<16xf32>
      %swap3A_326 = vector.shape_cast %add3A_321 : vector<16xf32> to vector<1x16xf32>
      tpu.vector_store %arg10[%swap3A_322, %swap3A_323], %swap3A_326 {strides = array<i32>} : memref<128x128xf32, #tpu.memory_space<vmem>>, vector<1x16xf32>,
      %get3A_327 = arith.index_cast %scan3A_282 : i32 to index
      %get3A_328 = arith.constant 32 : index
      %get3A_329 = tpu.vector_load %arg10[%get3A_327, %get3A_328] {strides = array<i32>} : memref<128x128xf32, #tpu.memory_space<vmem>>, vector<1x16xf32>,
      %get3A_330 = vector.shape_cast %get3A_329 : vector<1x16xf32> to vector<16xf32>
      %get3A_331 = arith.constant 0 : i32
      %get3A_332 = arith.index_cast %get3A_331 : i32 to index
      %get3A_333 = arith.index_cast %scan3A_282 : i32 to index
      %get3A_334 = arith.constant 32 : index
      %get3A_335 = tpu.vector_load %arg7[%get3A_332, %get3A_333, %get3A_334] {strides = array<i32>} : memref<2x128x128xf32, #tpu.memory_space<vmem>>, vector<1x1x16xf32>,
      %get3A_336 = vector.shape_cast %get3A_335 : vector<1x1x16xf32> to vector<16xf32>
      %get3A_337 = arith.index_cast %scan3A_282 : i32 to index
      %get3A_338 = arith.constant 32 : index
      %get3A_339 = tpu.vector_load %arg8[%get3A_337, %get3A_338] {strides = array<i32>} : memref<128x128xf32, #tpu.memory_space<vmem>>, vector<1x16xf32>,
      %get3A_340 = vector.shape_cast %get3A_339 : vector<1x16xf32> to vector<16xf32>
      %sub3A_341 = arith.subf %get3A_336, %get3A_340 : vector<16xf32>
      %max3A_342 = arith.constant 0.000000e+00 : f32
      %max3A_343 = vector.broadcast %max3A_342 : f32 to vector<16xf32>
      %max3A_344 = arith.maximumf %sub3A_341, %max3A_343 : vector<16xf32>
      %add3A_345 = arith.addf %get3A_330, %max3A_344 : vector<16xf32>
      %swap3A_346 = arith.index_cast %scan3A_282 : i32 to index
      %swap3A_347 = arith.constant 32 : index
      %swap3A_348 = tpu.vector_load %arg10[%swap3A_346, %swap3A_347] {strides = array<i32>} : memref<128x128xf32, #tpu.memory_space<vmem>>, vector<1x16xf32>,
      %swap3A_349 = vector.shape_cast %swap3A_348 : vector<1x16xf32> to vector<16xf32>
      %swap3A_350 = vector.shape_cast %add3A_345 : vector<16xf32> to vector<1x16xf32>
      tpu.vector_store %arg10[%swap3A_346, %swap3A_347], %swap3A_350 {strides = array<i32>} : memref<128x128xf32, #tpu.memory_space<vmem>>, vector<1x16xf32>,
    }
    %scan3A_107 = arith.constant 128 : i32
    %dma_start3A_108 = arith.constant 4 : i32
    %dma_start3A_109 = arith.constant 0 : i32
    %dma_start3A_110 = arith.constant 0 : i32
    %dma_start3A_111 = arith.constant 0 : i32
    %dma_start3A_112 = tpu.memref_slice %arg7[%dma_start3A_109, %dma_start3A_110, %dma_start3A_111] : memref<2x128x128xf32, #tpu.memory_space<vmem>> -> memref<1x128x128xf32, #tpu.memory_space<vmem>>
    %dma_start3A_113 = tpu.memref_squeeze %dma_start3A_112 : memref<1x128x128xf32, #tpu.memory_space<vmem>> -> memref<128x128xf32, #tpu.memory_space<vmem>>
    %dma_start3A_114 = arith.constant 0 : i32
    %dma_start3A_115 = tpu.memref_slice %arg6[%dma_start3A_108, %dma_start3A_114] : memref<9x128xi32, #tpu.memory_space<vmem>> -> memref<1x128xi32, #tpu.memory_space<vmem>>
    %dma_start3A_116 = tpu.memref_squeeze %dma_start3A_115 : memref<1x128xi32, #tpu.memory_space<vmem>> -> memref<128xi32, #tpu.memory_space<vmem>>
    %dma_start3A_117 = arith.constant 0 : i32
    %dma_start3A_118 = arith.constant 0 : i32
    %dma_start3A_119 = tpu.memref_slice %arg2[%dma_start3A_117, %dma_start3A_118] : memref<4096x128xf32, #tpu.memory_space<hbm>> -> memref<4096x128xf32, #tpu.memory_space<hbm>>
    tpu.enqueue_indirect_dma source(%dma_start3A_119 : memref<4096x128xf32, #tpu.memory_space<hbm>>) target(%dma_start3A_113 : memref<128x128xf32, #tpu.memory_space<vmem>>) offsets(%dma_start3A_116 : memref<128xi32, #tpu.memory_space<vmem>>) semaphore(%arg11 : memref<!tpu.dma_semaphore, #tpu.memory_space<semaphore_mem>>)
    %dma_wait3A_120 = arith.constant 3 : i32
    %dma_wait3A_121 = arith.constant 1 : i32
    %dma_wait3A_122 = arith.constant 0 : i32
    %dma_wait3A_123 = arith.constant 0 : i32
    %dma_wait3A_124 = tpu.memref_slice %arg7[%dma_wait3A_121, %dma_wait3A_122, %dma_wait3A_123] : memref<2x128x128xf32, #tpu.memory_space<vmem>> -> memref<1x128x128xf32, #tpu.memory_space<vmem>>
    %dma_wait3A_125 = tpu.memref_squeeze %dma_wait3A_124 : memref<1x128x128xf32, #tpu.memory_space<vmem>> -> memref<128x128xf32, #tpu.memory_space<vmem>>
    %dma_wait3A_126 = arith.constant 0 : i32
    %dma_wait3A_127 = tpu.memref_slice %arg6[%dma_wait3A_120, %dma_wait3A_126] : memref<9x128xi32, #tpu.memory_space<vmem>> -> memref<1x128xi32, #tpu.memory_space<vmem>>
    %dma_wait3A_128 = tpu.memref_squeeze %dma_wait3A_127 : memref<1x128xi32, #tpu.memory_space<vmem>> -> memref<128xi32, #tpu.memory_space<vmem>>
    %dma_wait3A_129 = arith.constant 0 : i32
    %dma_wait3A_130 = arith.constant 0 : i32
    %dma_wait3A_131 = tpu.memref_slice %arg2[%dma_wait3A_129, %dma_wait3A_130] : memref<4096x128xf32, #tpu.memory_space<hbm>> -> memref<4096x128xf32, #tpu.memory_space<hbm>>
    tpu.wait_indirect_dma semaphore(%arg12 : memref<!tpu.dma_semaphore, #tpu.memory_space<semaphore_mem>>) src(%dma_wait3A_131 : memref<4096x128xf32, #tpu.memory_space<hbm>>) dst(%dma_wait3A_125 : memref<128x128xf32, #tpu.memory_space<vmem>>)
    %scan3A_132 = arith.constant 0 : i32
    %scan3A_133 = arith.constant 0 : i32
    %scan3A_134 = arith.constant 128 : i32
    %scan3A_135 = arith.addi %scan3A_133, %scan3A_134 : i32
    %scan3A_136 = arith.constant 1 : i32
    scf.for %scan3A_282 = %scan3A_133 to %scan3A_135 step %scan3A_136  : i32 {
      %get3A = arith.index_cast %scan3A_282 : i32 to index
      %get3A_283 = arith.constant 0 : index
      %get3A_284 = tpu.vector_load %arg10[%get3A, %get3A_283] {strides = array<i32>} : memref<128x128xf32, #tpu.memory_space<vmem>>, vector<1x16xf32>,
      %get3A_285 = vector.shape_cast %get3A_284 : vector<1x16xf32> to vector<16xf32>
      %get3A_286 = arith.constant 1 : i32
      %get3A_287 = arith.index_cast %get3A_286 : i32 to index
      %get3A_288 = arith.index_cast %scan3A_282 : i32 to index
      %get3A_289 = arith.constant 0 : index
      %get3A_290 = tpu.vector_load %arg7[%get3A_287, %get3A_288, %get3A_289] {strides = array<i32>} : memref<2x128x128xf32, #tpu.memory_space<vmem>>, vector<1x1x16xf32>,
      %get3A_291 = vector.shape_cast %get3A_290 : vector<1x1x16xf32> to vector<16xf32>
      %get3A_292 = arith.index_cast %scan3A_282 : i32 to index
      %get3A_293 = arith.constant 0 : index
      %get3A_294 = tpu.vector_load %arg8[%get3A_292, %get3A_293] {strides = array<i32>} : memref<128x128xf32, #tpu.memory_space<vmem>>, vector<1x16xf32>,
      %get3A_295 = vector.shape_cast %get3A_294 : vector<1x16xf32> to vector<16xf32>
      %sub3A = arith.subf %get3A_291, %get3A_295 : vector<16xf32>
      %max3A = arith.constant 0.000000e+00 : f32
      %max3A_296 = vector.broadcast %max3A : f32 to vector<16xf32>
      %max3A_297 = arith.maximumf %sub3A, %max3A_296 : vector<16xf32>
      %add3A_298 = arith.addf %get3A_285, %max3A_297 : vector<16xf32>
      %swap3A = arith.index_cast %scan3A_282 : i32 to index
      %swap3A_299 = arith.constant 0 : index
      %swap3A_300 = tpu.vector_load %arg10[%swap3A, %swap3A_299] {strides = array<i32>} : memref<128x128xf32, #tpu.memory_space<vmem>>, vector<1x16xf32>,
      %swap3A_301 = vector.shape_cast %swap3A_300 : vector<1x16xf32> to vector<16xf32>
      %swap3A_302 = vector.shape_cast %add3A_298 : vector<16xf32> to vector<1x16xf32>
      tpu.vector_store %arg10[%swap3A, %swap3A_299], %swap3A_302 {strides = array<i32>} : memref<128x128xf32, #tpu.memory_space<vmem>>, vector<1x16xf32>,
      %get3A_303 = arith.index_cast %scan3A_282 : i32 to index
      %get3A_304 = arith.constant 16 : index
      %get3A_305 = tpu.vector_load %arg10[%get3A_303, %get3A_304] {strides = array<i32>} : memref<128x128xf32, #tpu.memory_space<vmem>>, vector<1x16xf32>,
      %get3A_306 = vector.shape_cast %get3A_305 : vector<1x16xf32> to vector<16xf32>
      %get3A_307 = arith.constant 1 : i32
      %get3A_308 = arith.index_cast %get3A_307 : i32 to index
      %get3A_309 = arith.index_cast %scan3A_282 : i32 to index
      %get3A_310 = arith.constant 16 : index
      %get3A_311 = tpu.vector_load %arg7[%get3A_308, %get3A_309, %get3A_310] {strides = array<i32>} : memref<2x128x128xf32, #tpu.memory_space<vmem>>, vector<1x1x16xf32>,
      %get3A_312 = vector.shape_cast %get3A_311 : vector<1x1x16xf32> to vector<16xf32>
      %get3A_313 = arith.index_cast %scan3A_282 : i32 to index
      %get3A_314 = arith.constant 16 : index
      %get3A_315 = tpu.vector_load %arg8[%get3A_313, %get3A_314] {strides = array<i32>} : memref<128x128xf32, #tpu.memory_space<vmem>>, vector<1x16xf32>,
      %get3A_316 = vector.shape_cast %get3A_315 : vector<1x16xf32> to vector<16xf32>
      %sub3A_317 = arith.subf %get3A_312, %get3A_316 : vector<16xf32>
      %max3A_318 = arith.constant 0.000000e+00 : f32
      %max3A_319 = vector.broadcast %max3A_318 : f32 to vector<16xf32>
      %max3A_320 = arith.maximumf %sub3A_317, %max3A_319 : vector<16xf32>
      %add3A_321 = arith.addf %get3A_306, %max3A_320 : vector<16xf32>
      %swap3A_322 = arith.index_cast %scan3A_282 : i32 to index
      %swap3A_323 = arith.constant 16 : index
      %swap3A_324 = tpu.vector_load %arg10[%swap3A_322, %swap3A_323] {strides = array<i32>} : memref<128x128xf32, #tpu.memory_space<vmem>>, vector<1x16xf32>,
      %swap3A_325 = vector.shape_cast %swap3A_324 : vector<1x16xf32> to vector<16xf32>
      %swap3A_326 = vector.shape_cast %add3A_321 : vector<16xf32> to vector<1x16xf32>
      tpu.vector_store %arg10[%swap3A_322, %swap3A_323], %swap3A_326 {strides = array<i32>} : memref<128x128xf32, #tpu.memory_space<vmem>>, vector<1x16xf32>,
      %get3A_327 = arith.index_cast %scan3A_282 : i32 to index
      %get3A_328 = arith.constant 32 : index
      %get3A_329 = tpu.vector_load %arg10[%get3A_327, %get3A_328] {strides = array<i32>} : memref<128x128xf32, #tpu.memory_space<vmem>>, vector<1x16xf32>,
      %get3A_330 = vector.shape_cast %get3A_329 : vector<1x16xf32> to vector<16xf32>
      %get3A_331 = arith.constant 1 : i32
      %get3A_332 = arith.index_cast %get3A_331 : i32 to index
      %get3A_333 = arith.index_cast %scan3A_282 : i32 to index
      %get3A_334 = arith.constant 32 : index
      %get3A_335 = tpu.vector_load %arg7[%get3A_332, %get3A_333, %get3A_334] {strides = array<i32>} : memref<2x128x128xf32, #tpu.memory_space<vmem>>, vector<1x1x16xf32>,
      %get3A_336 = vector.shape_cast %get3A_335 : vector<1x1x16xf32> to vector<16xf32>
      %get3A_337 = arith.index_cast %scan3A_282 : i32 to index
      %get3A_338 = arith.constant 32 : index
      %get3A_339 = tpu.vector_load %arg8[%get3A_337, %get3A_338] {strides = array<i32>} : memref<128x128xf32, #tpu.memory_space<vmem>>, vector<1x16xf32>,
      %get3A_340 = vector.shape_cast %get3A_339 : vector<1x16xf32> to vector<16xf32>
      %sub3A_341 = arith.subf %get3A_336, %get3A_340 : vector<16xf32>
      %max3A_342 = arith.constant 0.000000e+00 : f32
      %max3A_343 = vector.broadcast %max3A_342 : f32 to vector<16xf32>
      %max3A_344 = arith.maximumf %sub3A_341, %max3A_343 : vector<16xf32>
      %add3A_345 = arith.addf %get3A_330, %max3A_344 : vector<16xf32>
      %swap3A_346 = arith.index_cast %scan3A_282 : i32 to index
      %swap3A_347 = arith.constant 32 : index
      %swap3A_348 = tpu.vector_load %arg10[%swap3A_346, %swap3A_347] {strides = array<i32>} : memref<128x128xf32, #tpu.memory_space<vmem>>, vector<1x16xf32>,
      %swap3A_349 = vector.shape_cast %swap3A_348 : vector<1x16xf32> to vector<16xf32>
      %swap3A_350 = vector.shape_cast %add3A_345 : vector<16xf32> to vector<1x16xf32>
      tpu.vector_store %arg10[%swap3A_346, %swap3A_347], %swap3A_350 {strides = array<i32>} : memref<128x128xf32, #tpu.memory_space<vmem>>, vector<1x16xf32>,
    }
    %scan3A_137 = arith.constant 128 : i32
    %dma_start3A_138 = arith.constant 5 : i32
    %dma_start3A_139 = arith.constant 1 : i32
    %dma_start3A_140 = arith.constant 0 : i32
    %dma_start3A_141 = arith.constant 0 : i32
    %dma_start3A_142 = tpu.memref_slice %arg7[%dma_start3A_139, %dma_start3A_140, %dma_start3A_141] : memref<2x128x128xf32, #tpu.memory_space<vmem>> -> memref<1x128x128xf32, #tpu.memory_space<vmem>>
    %dma_start3A_143 = tpu.memref_squeeze %dma_start3A_142 : memref<1x128x128xf32, #tpu.memory_space<vmem>> -> memref<128x128xf32, #tpu.memory_space<vmem>>
    %dma_start3A_144 = arith.constant 0 : i32
    %dma_start3A_145 = tpu.memref_slice %arg6[%dma_start3A_138, %dma_start3A_144] : memref<9x128xi32, #tpu.memory_space<vmem>> -> memref<1x128xi32, #tpu.memory_space<vmem>>
    %dma_start3A_146 = tpu.memref_squeeze %dma_start3A_145 : memref<1x128xi32, #tpu.memory_space<vmem>> -> memref<128xi32, #tpu.memory_space<vmem>>
    %dma_start3A_147 = arith.constant 0 : i32
    %dma_start3A_148 = arith.constant 0 : i32
    %dma_start3A_149 = tpu.memref_slice %arg2[%dma_start3A_147, %dma_start3A_148] : memref<4096x128xf32, #tpu.memory_space<hbm>> -> memref<4096x128xf32, #tpu.memory_space<hbm>>
    tpu.enqueue_indirect_dma source(%dma_start3A_149 : memref<4096x128xf32, #tpu.memory_space<hbm>>) target(%dma_start3A_143 : memref<128x128xf32, #tpu.memory_space<vmem>>) offsets(%dma_start3A_146 : memref<128xi32, #tpu.memory_space<vmem>>) semaphore(%arg12 : memref<!tpu.dma_semaphore, #tpu.memory_space<semaphore_mem>>)
    %dma_wait3A_150 = arith.constant 4 : i32
    %dma_wait3A_151 = arith.constant 0 : i32
    %dma_wait3A_152 = arith.constant 0 : i32
    %dma_wait3A_153 = arith.constant 0 : i32
    %dma_wait3A_154 = tpu.memref_slice %arg7[%dma_wait3A_151, %dma_wait3A_152, %dma_wait3A_153] : memref<2x128x128xf32, #tpu.memory_space<vmem>> -> memref<1x128x128xf32, #tpu.memory_space<vmem>>
    %dma_wait3A_155 = tpu.memref_squeeze %dma_wait3A_154 : memref<1x128x128xf32, #tpu.memory_space<vmem>> -> memref<128x128xf32, #tpu.memory_space<vmem>>
    %dma_wait3A_156 = arith.constant 0 : i32
    %dma_wait3A_157 = tpu.memref_slice %arg6[%dma_wait3A_150, %dma_wait3A_156] : memref<9x128xi32, #tpu.memory_space<vmem>> -> memref<1x128xi32, #tpu.memory_space<vmem>>
    %dma_wait3A_158 = tpu.memref_squeeze %dma_wait3A_157 : memref<1x128xi32, #tpu.memory_space<vmem>> -> memref<128xi32, #tpu.memory_space<vmem>>
    %dma_wait3A_159 = arith.constant 0 : i32
    %dma_wait3A_160 = arith.constant 0 : i32
    %dma_wait3A_161 = tpu.memref_slice %arg2[%dma_wait3A_159, %dma_wait3A_160] : memref<4096x128xf32, #tpu.memory_space<hbm>> -> memref<4096x128xf32, #tpu.memory_space<hbm>>
    tpu.wait_indirect_dma semaphore(%arg11 : memref<!tpu.dma_semaphore, #tpu.memory_space<semaphore_mem>>) src(%dma_wait3A_161 : memref<4096x128xf32, #tpu.memory_space<hbm>>) dst(%dma_wait3A_155 : memref<128x128xf32, #tpu.memory_space<vmem>>)
    %scan3A_162 = arith.constant 0 : i32
    %scan3A_163 = arith.constant 0 : i32
    %scan3A_164 = arith.constant 128 : i32
    %scan3A_165 = arith.addi %scan3A_163, %scan3A_164 : i32
    %scan3A_166 = arith.constant 1 : i32
    scf.for %scan3A_282 = %scan3A_163 to %scan3A_165 step %scan3A_166  : i32 {
      %get3A = arith.index_cast %scan3A_282 : i32 to index
      %get3A_283 = arith.constant 0 : index
      %get3A_284 = tpu.vector_load %arg10[%get3A, %get3A_283] {strides = array<i32>} : memref<128x128xf32, #tpu.memory_space<vmem>>, vector<1x16xf32>,
      %get3A_285 = vector.shape_cast %get3A_284 : vector<1x16xf32> to vector<16xf32>
      %get3A_286 = arith.constant 0 : i32
      %get3A_287 = arith.index_cast %get3A_286 : i32 to index
      %get3A_288 = arith.index_cast %scan3A_282 : i32 to index
      %get3A_289 = arith.constant 0 : index
      %get3A_290 = tpu.vector_load %arg7[%get3A_287, %get3A_288, %get3A_289] {strides = array<i32>} : memref<2x128x128xf32, #tpu.memory_space<vmem>>, vector<1x1x16xf32>,
      %get3A_291 = vector.shape_cast %get3A_290 : vector<1x1x16xf32> to vector<16xf32>
      %get3A_292 = arith.index_cast %scan3A_282 : i32 to index
      %get3A_293 = arith.constant 0 : index
      %get3A_294 = tpu.vector_load %arg8[%get3A_292, %get3A_293] {strides = array<i32>} : memref<128x128xf32, #tpu.memory_space<vmem>>, vector<1x16xf32>,
      %get3A_295 = vector.shape_cast %get3A_294 : vector<1x16xf32> to vector<16xf32>
      %sub3A = arith.subf %get3A_291, %get3A_295 : vector<16xf32>
      %max3A = arith.constant 0.000000e+00 : f32
      %max3A_296 = vector.broadcast %max3A : f32 to vector<16xf32>
      %max3A_297 = arith.maximumf %sub3A, %max3A_296 : vector<16xf32>
      %add3A_298 = arith.addf %get3A_285, %max3A_297 : vector<16xf32>
      %swap3A = arith.index_cast %scan3A_282 : i32 to index
      %swap3A_299 = arith.constant 0 : index
      %swap3A_300 = tpu.vector_load %arg10[%swap3A, %swap3A_299] {strides = array<i32>} : memref<128x128xf32, #tpu.memory_space<vmem>>, vector<1x16xf32>,
      %swap3A_301 = vector.shape_cast %swap3A_300 : vector<1x16xf32> to vector<16xf32>
      %swap3A_302 = vector.shape_cast %add3A_298 : vector<16xf32> to vector<1x16xf32>
      tpu.vector_store %arg10[%swap3A, %swap3A_299], %swap3A_302 {strides = array<i32>} : memref<128x128xf32, #tpu.memory_space<vmem>>, vector<1x16xf32>,
      %get3A_303 = arith.index_cast %scan3A_282 : i32 to index
      %get3A_304 = arith.constant 16 : index
      %get3A_305 = tpu.vector_load %arg10[%get3A_303, %get3A_304] {strides = array<i32>} : memref<128x128xf32, #tpu.memory_space<vmem>>, vector<1x16xf32>,
      %get3A_306 = vector.shape_cast %get3A_305 : vector<1x16xf32> to vector<16xf32>
      %get3A_307 = arith.constant 0 : i32
      %get3A_308 = arith.index_cast %get3A_307 : i32 to index
      %get3A_309 = arith.index_cast %scan3A_282 : i32 to index
      %get3A_310 = arith.constant 16 : index
      %get3A_311 = tpu.vector_load %arg7[%get3A_308, %get3A_309, %get3A_310] {strides = array<i32>} : memref<2x128x128xf32, #tpu.memory_space<vmem>>, vector<1x1x16xf32>,
      %get3A_312 = vector.shape_cast %get3A_311 : vector<1x1x16xf32> to vector<16xf32>
      %get3A_313 = arith.index_cast %scan3A_282 : i32 to index
      %get3A_314 = arith.constant 16 : index
      %get3A_315 = tpu.vector_load %arg8[%get3A_313, %get3A_314] {strides = array<i32>} : memref<128x128xf32, #tpu.memory_space<vmem>>, vector<1x16xf32>,
      %get3A_316 = vector.shape_cast %get3A_315 : vector<1x16xf32> to vector<16xf32>
      %sub3A_317 = arith.subf %get3A_312, %get3A_316 : vector<16xf32>
      %max3A_318 = arith.constant 0.000000e+00 : f32
      %max3A_319 = vector.broadcast %max3A_318 : f32 to vector<16xf32>
      %max3A_320 = arith.maximumf %sub3A_317, %max3A_319 : vector<16xf32>
      %add3A_321 = arith.addf %get3A_306, %max3A_320 : vector<16xf32>
      %swap3A_322 = arith.index_cast %scan3A_282 : i32 to index
      %swap3A_323 = arith.constant 16 : index
      %swap3A_324 = tpu.vector_load %arg10[%swap3A_322, %swap3A_323] {strides = array<i32>} : memref<128x128xf32, #tpu.memory_space<vmem>>, vector<1x16xf32>,
      %swap3A_325 = vector.shape_cast %swap3A_324 : vector<1x16xf32> to vector<16xf32>
      %swap3A_326 = vector.shape_cast %add3A_321 : vector<16xf32> to vector<1x16xf32>
      tpu.vector_store %arg10[%swap3A_322, %swap3A_323], %swap3A_326 {strides = array<i32>} : memref<128x128xf32, #tpu.memory_space<vmem>>, vector<1x16xf32>,
      %get3A_327 = arith.index_cast %scan3A_282 : i32 to index
      %get3A_328 = arith.constant 32 : index
      %get3A_329 = tpu.vector_load %arg10[%get3A_327, %get3A_328] {strides = array<i32>} : memref<128x128xf32, #tpu.memory_space<vmem>>, vector<1x16xf32>,
      %get3A_330 = vector.shape_cast %get3A_329 : vector<1x16xf32> to vector<16xf32>
      %get3A_331 = arith.constant 0 : i32
      %get3A_332 = arith.index_cast %get3A_331 : i32 to index
      %get3A_333 = arith.index_cast %scan3A_282 : i32 to index
      %get3A_334 = arith.constant 32 : index
      %get3A_335 = tpu.vector_load %arg7[%get3A_332, %get3A_333, %get3A_334] {strides = array<i32>} : memref<2x128x128xf32, #tpu.memory_space<vmem>>, vector<1x1x16xf32>,
      %get3A_336 = vector.shape_cast %get3A_335 : vector<1x1x16xf32> to vector<16xf32>
      %get3A_337 = arith.index_cast %scan3A_282 : i32 to index
      %get3A_338 = arith.constant 32 : index
      %get3A_339 = tpu.vector_load %arg8[%get3A_337, %get3A_338] {strides = array<i32>} : memref<128x128xf32, #tpu.memory_space<vmem>>, vector<1x16xf32>,
      %get3A_340 = vector.shape_cast %get3A_339 : vector<1x16xf32> to vector<16xf32>
      %sub3A_341 = arith.subf %get3A_336, %get3A_340 : vector<16xf32>
      %max3A_342 = arith.constant 0.000000e+00 : f32
      %max3A_343 = vector.broadcast %max3A_342 : f32 to vector<16xf32>
      %max3A_344 = arith.maximumf %sub3A_341, %max3A_343 : vector<16xf32>
      %add3A_345 = arith.addf %get3A_330, %max3A_344 : vector<16xf32>
      %swap3A_346 = arith.index_cast %scan3A_282 : i32 to index
      %swap3A_347 = arith.constant 32 : index
      %swap3A_348 = tpu.vector_load %arg10[%swap3A_346, %swap3A_347] {strides = array<i32>} : memref<128x128xf32, #tpu.memory_space<vmem>>, vector<1x16xf32>,
      %swap3A_349 = vector.shape_cast %swap3A_348 : vector<1x16xf32> to vector<16xf32>
      %swap3A_350 = vector.shape_cast %add3A_345 : vector<16xf32> to vector<1x16xf32>
      tpu.vector_store %arg10[%swap3A_346, %swap3A_347], %swap3A_350 {strides = array<i32>} : memref<128x128xf32, #tpu.memory_space<vmem>>, vector<1x16xf32>,
    }
    %scan3A_167 = arith.constant 128 : i32
    %dma_start3A_168 = arith.constant 6 : i32
    %dma_start3A_169 = arith.constant 0 : i32
    %dma_start3A_170 = arith.constant 0 : i32
    %dma_start3A_171 = arith.constant 0 : i32
    %dma_start3A_172 = tpu.memref_slice %arg7[%dma_start3A_169, %dma_start3A_170, %dma_start3A_171] : memref<2x128x128xf32, #tpu.memory_space<vmem>> -> memref<1x128x128xf32, #tpu.memory_space<vmem>>
    %dma_start3A_173 = tpu.memref_squeeze %dma_start3A_172 : memref<1x128x128xf32, #tpu.memory_space<vmem>> -> memref<128x128xf32, #tpu.memory_space<vmem>>
    %dma_start3A_174 = arith.constant 0 : i32
    %dma_start3A_175 = tpu.memref_slice %arg6[%dma_start3A_168, %dma_start3A_174] : memref<9x128xi32, #tpu.memory_space<vmem>> -> memref<1x128xi32, #tpu.memory_space<vmem>>
    %dma_start3A_176 = tpu.memref_squeeze %dma_start3A_175 : memref<1x128xi32, #tpu.memory_space<vmem>> -> memref<128xi32, #tpu.memory_space<vmem>>
    %dma_start3A_177 = arith.constant 0 : i32
    %dma_start3A_178 = arith.constant 0 : i32
    %dma_start3A_179 = tpu.memref_slice %arg2[%dma_start3A_177, %dma_start3A_178] : memref<4096x128xf32, #tpu.memory_space<hbm>> -> memref<4096x128xf32, #tpu.memory_space<hbm>>
    tpu.enqueue_indirect_dma source(%dma_start3A_179 : memref<4096x128xf32, #tpu.memory_space<hbm>>) target(%dma_start3A_173 : memref<128x128xf32, #tpu.memory_space<vmem>>) offsets(%dma_start3A_176 : memref<128xi32, #tpu.memory_space<vmem>>) semaphore(%arg11 : memref<!tpu.dma_semaphore, #tpu.memory_space<semaphore_mem>>)
    %dma_wait3A_180 = arith.constant 5 : i32
    %dma_wait3A_181 = arith.constant 1 : i32
    %dma_wait3A_182 = arith.constant 0 : i32
    %dma_wait3A_183 = arith.constant 0 : i32
    %dma_wait3A_184 = tpu.memref_slice %arg7[%dma_wait3A_181, %dma_wait3A_182, %dma_wait3A_183] : memref<2x128x128xf32, #tpu.memory_space<vmem>> -> memref<1x128x128xf32, #tpu.memory_space<vmem>>
    %dma_wait3A_185 = tpu.memref_squeeze %dma_wait3A_184 : memref<1x128x128xf32, #tpu.memory_space<vmem>> -> memref<128x128xf32, #tpu.memory_space<vmem>>
    %dma_wait3A_186 = arith.constant 0 : i32
    %dma_wait3A_187 = tpu.memref_slice %arg6[%dma_wait3A_180, %dma_wait3A_186] : memref<9x128xi32, #tpu.memory_space<vmem>> -> memref<1x128xi32, #tpu.memory_space<vmem>>
    %dma_wait3A_188 = tpu.memref_squeeze %dma_wait3A_187 : memref<1x128xi32, #tpu.memory_space<vmem>> -> memref<128xi32, #tpu.memory_space<vmem>>
    %dma_wait3A_189 = arith.constant 0 : i32
    %dma_wait3A_190 = arith.constant 0 : i32
    %dma_wait3A_191 = tpu.memref_slice %arg2[%dma_wait3A_189, %dma_wait3A_190] : memref<4096x128xf32, #tpu.memory_space<hbm>> -> memref<4096x128xf32, #tpu.memory_space<hbm>>
    tpu.wait_indirect_dma semaphore(%arg12 : memref<!tpu.dma_semaphore, #tpu.memory_space<semaphore_mem>>) src(%dma_wait3A_191 : memref<4096x128xf32, #tpu.memory_space<hbm>>) dst(%dma_wait3A_185 : memref<128x128xf32, #tpu.memory_space<vmem>>)
    %scan3A_192 = arith.constant 0 : i32
    %scan3A_193 = arith.constant 0 : i32
    %scan3A_194 = arith.constant 128 : i32
    %scan3A_195 = arith.addi %scan3A_193, %scan3A_194 : i32
    %scan3A_196 = arith.constant 1 : i32
    scf.for %scan3A_282 = %scan3A_193 to %scan3A_195 step %scan3A_196  : i32 {
      %get3A = arith.index_cast %scan3A_282 : i32 to index
      %get3A_283 = arith.constant 0 : index
      %get3A_284 = tpu.vector_load %arg10[%get3A, %get3A_283] {strides = array<i32>} : memref<128x128xf32, #tpu.memory_space<vmem>>, vector<1x16xf32>,
      %get3A_285 = vector.shape_cast %get3A_284 : vector<1x16xf32> to vector<16xf32>
      %get3A_286 = arith.constant 1 : i32
      %get3A_287 = arith.index_cast %get3A_286 : i32 to index
      %get3A_288 = arith.index_cast %scan3A_282 : i32 to index
      %get3A_289 = arith.constant 0 : index
      %get3A_290 = tpu.vector_load %arg7[%get3A_287, %get3A_288, %get3A_289] {strides = array<i32>} : memref<2x128x128xf32, #tpu.memory_space<vmem>>, vector<1x1x16xf32>,
      %get3A_291 = vector.shape_cast %get3A_290 : vector<1x1x16xf32> to vector<16xf32>
      %get3A_292 = arith.index_cast %scan3A_282 : i32 to index
      %get3A_293 = arith.constant 0 : index
      %get3A_294 = tpu.vector_load %arg8[%get3A_292, %get3A_293] {strides = array<i32>} : memref<128x128xf32, #tpu.memory_space<vmem>>, vector<1x16xf32>,
      %get3A_295 = vector.shape_cast %get3A_294 : vector<1x16xf32> to vector<16xf32>
      %sub3A = arith.subf %get3A_291, %get3A_295 : vector<16xf32>
      %max3A = arith.constant 0.000000e+00 : f32
      %max3A_296 = vector.broadcast %max3A : f32 to vector<16xf32>
      %max3A_297 = arith.maximumf %sub3A, %max3A_296 : vector<16xf32>
      %add3A_298 = arith.addf %get3A_285, %max3A_297 : vector<16xf32>
      %swap3A = arith.index_cast %scan3A_282 : i32 to index
      %swap3A_299 = arith.constant 0 : index
      %swap3A_300 = tpu.vector_load %arg10[%swap3A, %swap3A_299] {strides = array<i32>} : memref<128x128xf32, #tpu.memory_space<vmem>>, vector<1x16xf32>,
      %swap3A_301 = vector.shape_cast %swap3A_300 : vector<1x16xf32> to vector<16xf32>
      %swap3A_302 = vector.shape_cast %add3A_298 : vector<16xf32> to vector<1x16xf32>
      tpu.vector_store %arg10[%swap3A, %swap3A_299], %swap3A_302 {strides = array<i32>} : memref<128x128xf32, #tpu.memory_space<vmem>>, vector<1x16xf32>,
      %get3A_303 = arith.index_cast %scan3A_282 : i32 to index
      %get3A_304 = arith.constant 16 : index
      %get3A_305 = tpu.vector_load %arg10[%get3A_303, %get3A_304] {strides = array<i32>} : memref<128x128xf32, #tpu.memory_space<vmem>>, vector<1x16xf32>,
      %get3A_306 = vector.shape_cast %get3A_305 : vector<1x16xf32> to vector<16xf32>
      %get3A_307 = arith.constant 1 : i32
      %get3A_308 = arith.index_cast %get3A_307 : i32 to index
      %get3A_309 = arith.index_cast %scan3A_282 : i32 to index
      %get3A_310 = arith.constant 16 : index
      %get3A_311 = tpu.vector_load %arg7[%get3A_308, %get3A_309, %get3A_310] {strides = array<i32>} : memref<2x128x128xf32, #tpu.memory_space<vmem>>, vector<1x1x16xf32>,
      %get3A_312 = vector.shape_cast %get3A_311 : vector<1x1x16xf32> to vector<16xf32>
      %get3A_313 = arith.index_cast %scan3A_282 : i32 to index
      %get3A_314 = arith.constant 16 : index
      %get3A_315 = tpu.vector_load %arg8[%get3A_313, %get3A_314] {strides = array<i32>} : memref<128x128xf32, #tpu.memory_space<vmem>>, vector<1x16xf32>,
      %get3A_316 = vector.shape_cast %get3A_315 : vector<1x16xf32> to vector<16xf32>
      %sub3A_317 = arith.subf %get3A_312, %get3A_316 : vector<16xf32>
      %max3A_318 = arith.constant 0.000000e+00 : f32
      %max3A_319 = vector.broadcast %max3A_318 : f32 to vector<16xf32>
      %max3A_320 = arith.maximumf %sub3A_317, %max3A_319 : vector<16xf32>
      %add3A_321 = arith.addf %get3A_306, %max3A_320 : vector<16xf32>
      %swap3A_322 = arith.index_cast %scan3A_282 : i32 to index
      %swap3A_323 = arith.constant 16 : index
      %swap3A_324 = tpu.vector_load %arg10[%swap3A_322, %swap3A_323] {strides = array<i32>} : memref<128x128xf32, #tpu.memory_space<vmem>>, vector<1x16xf32>,
      %swap3A_325 = vector.shape_cast %swap3A_324 : vector<1x16xf32> to vector<16xf32>
      %swap3A_326 = vector.shape_cast %add3A_321 : vector<16xf32> to vector<1x16xf32>
      tpu.vector_store %arg10[%swap3A_322, %swap3A_323], %swap3A_326 {strides = array<i32>} : memref<128x128xf32, #tpu.memory_space<vmem>>, vector<1x16xf32>,
      %get3A_327 = arith.index_cast %scan3A_282 : i32 to index
      %get3A_328 = arith.constant 32 : index
      %get3A_329 = tpu.vector_load %arg10[%get3A_327, %get3A_328] {strides = array<i32>} : memref<128x128xf32, #tpu.memory_space<vmem>>, vector<1x16xf32>,
      %get3A_330 = vector.shape_cast %get3A_329 : vector<1x16xf32> to vector<16xf32>
      %get3A_331 = arith.constant 1 : i32
      %get3A_332 = arith.index_cast %get3A_331 : i32 to index
      %get3A_333 = arith.index_cast %scan3A_282 : i32 to index
      %get3A_334 = arith.constant 32 : index
      %get3A_335 = tpu.vector_load %arg7[%get3A_332, %get3A_333, %get3A_334] {strides = array<i32>} : memref<2x128x128xf32, #tpu.memory_space<vmem>>, vector<1x1x16xf32>,
      %get3A_336 = vector.shape_cast %get3A_335 : vector<1x1x16xf32> to vector<16xf32>
      %get3A_337 = arith.index_cast %scan3A_282 : i32 to index
      %get3A_338 = arith.constant 32 : index
      %get3A_339 = tpu.vector_load %arg8[%get3A_337, %get3A_338] {strides = array<i32>} : memref<128x128xf32, #tpu.memory_space<vmem>>, vector<1x16xf32>,
      %get3A_340 = vector.shape_cast %get3A_339 : vector<1x16xf32> to vector<16xf32>
      %sub3A_341 = arith.subf %get3A_336, %get3A_340 : vector<16xf32>
      %max3A_342 = arith.constant 0.000000e+00 : f32
      %max3A_343 = vector.broadcast %max3A_342 : f32 to vector<16xf32>
      %max3A_344 = arith.maximumf %sub3A_341, %max3A_343 : vector<16xf32>
      %add3A_345 = arith.addf %get3A_330, %max3A_344 : vector<16xf32>
      %swap3A_346 = arith.index_cast %scan3A_282 : i32 to index
      %swap3A_347 = arith.constant 32 : index
      %swap3A_348 = tpu.vector_load %arg10[%swap3A_346, %swap3A_347] {strides = array<i32>} : memref<128x128xf32, #tpu.memory_space<vmem>>, vector<1x16xf32>,
      %swap3A_349 = vector.shape_cast %swap3A_348 : vector<1x16xf32> to vector<16xf32>
      %swap3A_350 = vector.shape_cast %add3A_345 : vector<16xf32> to vector<1x16xf32>
      tpu.vector_store %arg10[%swap3A_346, %swap3A_347], %swap3A_350 {strides = array<i32>} : memref<128x128xf32, #tpu.memory_space<vmem>>, vector<1x16xf32>,
    }
    %scan3A_197 = arith.constant 128 : i32
    %dma_start3A_198 = arith.constant 7 : i32
    %dma_start3A_199 = arith.constant 1 : i32
    %dma_start3A_200 = arith.constant 0 : i32
    %dma_start3A_201 = arith.constant 0 : i32
    %dma_start3A_202 = tpu.memref_slice %arg7[%dma_start3A_199, %dma_start3A_200, %dma_start3A_201] : memref<2x128x128xf32, #tpu.memory_space<vmem>> -> memref<1x128x128xf32, #tpu.memory_space<vmem>>
    %dma_start3A_203 = tpu.memref_squeeze %dma_start3A_202 : memref<1x128x128xf32, #tpu.memory_space<vmem>> -> memref<128x128xf32, #tpu.memory_space<vmem>>
    %dma_start3A_204 = arith.constant 0 : i32
    %dma_start3A_205 = tpu.memref_slice %arg6[%dma_start3A_198, %dma_start3A_204] : memref<9x128xi32, #tpu.memory_space<vmem>> -> memref<1x128xi32, #tpu.memory_space<vmem>>
    %dma_start3A_206 = tpu.memref_squeeze %dma_start3A_205 : memref<1x128xi32, #tpu.memory_space<vmem>> -> memref<128xi32, #tpu.memory_space<vmem>>
    %dma_start3A_207 = arith.constant 0 : i32
    %dma_start3A_208 = arith.constant 0 : i32
    %dma_start3A_209 = tpu.memref_slice %arg2[%dma_start3A_207, %dma_start3A_208] : memref<4096x128xf32, #tpu.memory_space<hbm>> -> memref<4096x128xf32, #tpu.memory_space<hbm>>
    tpu.enqueue_indirect_dma source(%dma_start3A_209 : memref<4096x128xf32, #tpu.memory_space<hbm>>) target(%dma_start3A_203 : memref<128x128xf32, #tpu.memory_space<vmem>>) offsets(%dma_start3A_206 : memref<128xi32, #tpu.memory_space<vmem>>) semaphore(%arg12 : memref<!tpu.dma_semaphore, #tpu.memory_space<semaphore_mem>>)
    %dma_wait3A_210 = arith.constant 6 : i32
    %dma_wait3A_211 = arith.constant 0 : i32
    %dma_wait3A_212 = arith.constant 0 : i32
    %dma_wait3A_213 = arith.constant 0 : i32
    %dma_wait3A_214 = tpu.memref_slice %arg7[%dma_wait3A_211, %dma_wait3A_212, %dma_wait3A_213] : memref<2x128x128xf32, #tpu.memory_space<vmem>> -> memref<1x128x128xf32, #tpu.memory_space<vmem>>
    %dma_wait3A_215 = tpu.memref_squeeze %dma_wait3A_214 : memref<1x128x128xf32, #tpu.memory_space<vmem>> -> memref<128x128xf32, #tpu.memory_space<vmem>>
    %dma_wait3A_216 = arith.constant 0 : i32
    %dma_wait3A_217 = tpu.memref_slice %arg6[%dma_wait3A_210, %dma_wait3A_216] : memref<9x128xi32, #tpu.memory_space<vmem>> -> memref<1x128xi32, #tpu.memory_space<vmem>>
    %dma_wait3A_218 = tpu.memref_squeeze %dma_wait3A_217 : memref<1x128xi32, #tpu.memory_space<vmem>> -> memref<128xi32, #tpu.memory_space<vmem>>
    %dma_wait3A_219 = arith.constant 0 : i32
    %dma_wait3A_220 = arith.constant 0 : i32
    %dma_wait3A_221 = tpu.memref_slice %arg2[%dma_wait3A_219, %dma_wait3A_220] : memref<4096x128xf32, #tpu.memory_space<hbm>> -> memref<4096x128xf32, #tpu.memory_space<hbm>>
    tpu.wait_indirect_dma semaphore(%arg11 : memref<!tpu.dma_semaphore, #tpu.memory_space<semaphore_mem>>) src(%dma_wait3A_221 : memref<4096x128xf32, #tpu.memory_space<hbm>>) dst(%dma_wait3A_215 : memref<128x128xf32, #tpu.memory_space<vmem>>)
    %scan3A_222 = arith.constant 0 : i32
    %scan3A_223 = arith.constant 0 : i32
    %scan3A_224 = arith.constant 128 : i32
    %scan3A_225 = arith.addi %scan3A_223, %scan3A_224 : i32
    %scan3A_226 = arith.constant 1 : i32
    scf.for %scan3A_282 = %scan3A_223 to %scan3A_225 step %scan3A_226  : i32 {
      %get3A = arith.index_cast %scan3A_282 : i32 to index
      %get3A_283 = arith.constant 0 : index
      %get3A_284 = tpu.vector_load %arg10[%get3A, %get3A_283] {strides = array<i32>} : memref<128x128xf32, #tpu.memory_space<vmem>>, vector<1x16xf32>,
      %get3A_285 = vector.shape_cast %get3A_284 : vector<1x16xf32> to vector<16xf32>
      %get3A_286 = arith.constant 0 : i32
      %get3A_287 = arith.index_cast %get3A_286 : i32 to index
      %get3A_288 = arith.index_cast %scan3A_282 : i32 to index
      %get3A_289 = arith.constant 0 : index
      %get3A_290 = tpu.vector_load %arg7[%get3A_287, %get3A_288, %get3A_289] {strides = array<i32>} : memref<2x128x128xf32, #tpu.memory_space<vmem>>, vector<1x1x16xf32>,
      %get3A_291 = vector.shape_cast %get3A_290 : vector<1x1x16xf32> to vector<16xf32>
      %get3A_292 = arith.index_cast %scan3A_282 : i32 to index
      %get3A_293 = arith.constant 0 : index
      %get3A_294 = tpu.vector_load %arg8[%get3A_292, %get3A_293] {strides = array<i32>} : memref<128x128xf32, #tpu.memory_space<vmem>>, vector<1x16xf32>,
      %get3A_295 = vector.shape_cast %get3A_294 : vector<1x16xf32> to vector<16xf32>
      %sub3A = arith.subf %get3A_291, %get3A_295 : vector<16xf32>
      %max3A = arith.constant 0.000000e+00 : f32
      %max3A_296 = vector.broadcast %max3A : f32 to vector<16xf32>
      %max3A_297 = arith.maximumf %sub3A, %max3A_296 : vector<16xf32>
      %add3A_298 = arith.addf %get3A_285, %max3A_297 : vector<16xf32>
      %swap3A = arith.index_cast %scan3A_282 : i32 to index
      %swap3A_299 = arith.constant 0 : index
      %swap3A_300 = tpu.vector_load %arg10[%swap3A, %swap3A_299] {strides = array<i32>} : memref<128x128xf32, #tpu.memory_space<vmem>>, vector<1x16xf32>,
      %swap3A_301 = vector.shape_cast %swap3A_300 : vector<1x16xf32> to vector<16xf32>
      %swap3A_302 = vector.shape_cast %add3A_298 : vector<16xf32> to vector<1x16xf32>
      tpu.vector_store %arg10[%swap3A, %swap3A_299], %swap3A_302 {strides = array<i32>} : memref<128x128xf32, #tpu.memory_space<vmem>>, vector<1x16xf32>,
      %get3A_303 = arith.index_cast %scan3A_282 : i32 to index
      %get3A_304 = arith.constant 16 : index
      %get3A_305 = tpu.vector_load %arg10[%get3A_303, %get3A_304] {strides = array<i32>} : memref<128x128xf32, #tpu.memory_space<vmem>>, vector<1x16xf32>,
      %get3A_306 = vector.shape_cast %get3A_305 : vector<1x16xf32> to vector<16xf32>
      %get3A_307 = arith.constant 0 : i32
      %get3A_308 = arith.index_cast %get3A_307 : i32 to index
      %get3A_309 = arith.index_cast %scan3A_282 : i32 to index
      %get3A_310 = arith.constant 16 : index
      %get3A_311 = tpu.vector_load %arg7[%get3A_308, %get3A_309, %get3A_310] {strides = array<i32>} : memref<2x128x128xf32, #tpu.memory_space<vmem>>, vector<1x1x16xf32>,
      %get3A_312 = vector.shape_cast %get3A_311 : vector<1x1x16xf32> to vector<16xf32>
      %get3A_313 = arith.index_cast %scan3A_282 : i32 to index
      %get3A_314 = arith.constant 16 : index
      %get3A_315 = tpu.vector_load %arg8[%get3A_313, %get3A_314] {strides = array<i32>} : memref<128x128xf32, #tpu.memory_space<vmem>>, vector<1x16xf32>,
      %get3A_316 = vector.shape_cast %get3A_315 : vector<1x16xf32> to vector<16xf32>
      %sub3A_317 = arith.subf %get3A_312, %get3A_316 : vector<16xf32>
      %max3A_318 = arith.constant 0.000000e+00 : f32
      %max3A_319 = vector.broadcast %max3A_318 : f32 to vector<16xf32>
      %max3A_320 = arith.maximumf %sub3A_317, %max3A_319 : vector<16xf32>
      %add3A_321 = arith.addf %get3A_306, %max3A_320 : vector<16xf32>
      %swap3A_322 = arith.index_cast %scan3A_282 : i32 to index
      %swap3A_323 = arith.constant 16 : index
      %swap3A_324 = tpu.vector_load %arg10[%swap3A_322, %swap3A_323] {strides = array<i32>} : memref<128x128xf32, #tpu.memory_space<vmem>>, vector<1x16xf32>,
      %swap3A_325 = vector.shape_cast %swap3A_324 : vector<1x16xf32> to vector<16xf32>
      %swap3A_326 = vector.shape_cast %add3A_321 : vector<16xf32> to vector<1x16xf32>
      tpu.vector_store %arg10[%swap3A_322, %swap3A_323], %swap3A_326 {strides = array<i32>} : memref<128x128xf32, #tpu.memory_space<vmem>>, vector<1x16xf32>,
      %get3A_327 = arith.index_cast %scan3A_282 : i32 to index
      %get3A_328 = arith.constant 32 : index
      %get3A_329 = tpu.vector_load %arg10[%get3A_327, %get3A_328] {strides = array<i32>} : memref<128x128xf32, #tpu.memory_space<vmem>>, vector<1x16xf32>,
      %get3A_330 = vector.shape_cast %get3A_329 : vector<1x16xf32> to vector<16xf32>
      %get3A_331 = arith.constant 0 : i32
      %get3A_332 = arith.index_cast %get3A_331 : i32 to index
      %get3A_333 = arith.index_cast %scan3A_282 : i32 to index
      %get3A_334 = arith.constant 32 : index
      %get3A_335 = tpu.vector_load %arg7[%get3A_332, %get3A_333, %get3A_334] {strides = array<i32>} : memref<2x128x128xf32, #tpu.memory_space<vmem>>, vector<1x1x16xf32>,
      %get3A_336 = vector.shape_cast %get3A_335 : vector<1x1x16xf32> to vector<16xf32>
      %get3A_337 = arith.index_cast %scan3A_282 : i32 to index
      %get3A_338 = arith.constant 32 : index
      %get3A_339 = tpu.vector_load %arg8[%get3A_337, %get3A_338] {strides = array<i32>} : memref<128x128xf32, #tpu.memory_space<vmem>>, vector<1x16xf32>,
      %get3A_340 = vector.shape_cast %get3A_339 : vector<1x16xf32> to vector<16xf32>
      %sub3A_341 = arith.subf %get3A_336, %get3A_340 : vector<16xf32>
      %max3A_342 = arith.constant 0.000000e+00 : f32
      %max3A_343 = vector.broadcast %max3A_342 : f32 to vector<16xf32>
      %max3A_344 = arith.maximumf %sub3A_341, %max3A_343 : vector<16xf32>
      %add3A_345 = arith.addf %get3A_330, %max3A_344 : vector<16xf32>
      %swap3A_346 = arith.index_cast %scan3A_282 : i32 to index
      %swap3A_347 = arith.constant 32 : index
      %swap3A_348 = tpu.vector_load %arg10[%swap3A_346, %swap3A_347] {strides = array<i32>} : memref<128x128xf32, #tpu.memory_space<vmem>>, vector<1x16xf32>,
      %swap3A_349 = vector.shape_cast %swap3A_348 : vector<1x16xf32> to vector<16xf32>
      %swap3A_350 = vector.shape_cast %add3A_345 : vector<16xf32> to vector<1x16xf32>
      tpu.vector_store %arg10[%swap3A_346, %swap3A_347], %swap3A_350 {strides = array<i32>} : memref<128x128xf32, #tpu.memory_space<vmem>>, vector<1x16xf32>,
    }
    %scan3A_227 = arith.constant 128 : i32
    %dma_start3A_228 = arith.constant 8 : i32
    %dma_start3A_229 = arith.constant 0 : i32
    %dma_start3A_230 = arith.constant 0 : i32
    %dma_start3A_231 = arith.constant 0 : i32
    %dma_start3A_232 = tpu.memref_slice %arg7[%dma_start3A_229, %dma_start3A_230, %dma_start3A_231] : memref<2x128x128xf32, #tpu.memory_space<vmem>> -> memref<1x128x128xf32, #tpu.memory_space<vmem>>
    %dma_start3A_233 = tpu.memref_squeeze %dma_start3A_232 : memref<1x128x128xf32, #tpu.memory_space<vmem>> -> memref<128x128xf32, #tpu.memory_space<vmem>>
    %dma_start3A_234 = arith.constant 0 : i32
    %dma_start3A_235 = tpu.memref_slice %arg6[%dma_start3A_228, %dma_start3A_234] : memref<9x128xi32, #tpu.memory_space<vmem>> -> memref<1x128xi32, #tpu.memory_space<vmem>>
    %dma_start3A_236 = tpu.memref_squeeze %dma_start3A_235 : memref<1x128xi32, #tpu.memory_space<vmem>> -> memref<128xi32, #tpu.memory_space<vmem>>
    %dma_start3A_237 = arith.constant 0 : i32
    %dma_start3A_238 = arith.constant 0 : i32
    %dma_start3A_239 = tpu.memref_slice %arg2[%dma_start3A_237, %dma_start3A_238] : memref<4096x128xf32, #tpu.memory_space<hbm>> -> memref<4096x128xf32, #tpu.memory_space<hbm>>
    tpu.enqueue_indirect_dma source(%dma_start3A_239 : memref<4096x128xf32, #tpu.memory_space<hbm>>) target(%dma_start3A_233 : memref<128x128xf32, #tpu.memory_space<vmem>>) offsets(%dma_start3A_236 : memref<128xi32, #tpu.memory_space<vmem>>) semaphore(%arg11 : memref<!tpu.dma_semaphore, #tpu.memory_space<semaphore_mem>>)
    %dma_wait3A_240 = arith.constant 7 : i32
    %dma_wait3A_241 = arith.constant 1 : i32
    %dma_wait3A_242 = arith.constant 0 : i32
    %dma_wait3A_243 = arith.constant 0 : i32
    %dma_wait3A_244 = tpu.memref_slice %arg7[%dma_wait3A_241, %dma_wait3A_242, %dma_wait3A_243] : memref<2x128x128xf32, #tpu.memory_space<vmem>> -> memref<1x128x128xf32, #tpu.memory_space<vmem>>
    %dma_wait3A_245 = tpu.memref_squeeze %dma_wait3A_244 : memref<1x128x128xf32, #tpu.memory_space<vmem>> -> memref<128x128xf32, #tpu.memory_space<vmem>>
    %dma_wait3A_246 = arith.constant 0 : i32
    %dma_wait3A_247 = tpu.memref_slice %arg6[%dma_wait3A_240, %dma_wait3A_246] : memref<9x128xi32, #tpu.memory_space<vmem>> -> memref<1x128xi32, #tpu.memory_space<vmem>>
    %dma_wait3A_248 = tpu.memref_squeeze %dma_wait3A_247 : memref<1x128xi32, #tpu.memory_space<vmem>> -> memref<128xi32, #tpu.memory_space<vmem>>
    %dma_wait3A_249 = arith.constant 0 : i32
    %dma_wait3A_250 = arith.constant 0 : i32
    %dma_wait3A_251 = tpu.memref_slice %arg2[%dma_wait3A_249, %dma_wait3A_250] : memref<4096x128xf32, #tpu.memory_space<hbm>> -> memref<4096x128xf32, #tpu.memory_space<hbm>>
    tpu.wait_indirect_dma semaphore(%arg12 : memref<!tpu.dma_semaphore, #tpu.memory_space<semaphore_mem>>) src(%dma_wait3A_251 : memref<4096x128xf32, #tpu.memory_space<hbm>>) dst(%dma_wait3A_245 : memref<128x128xf32, #tpu.memory_space<vmem>>)
    %scan3A_252 = arith.constant 0 : i32
    %scan3A_253 = arith.constant 0 : i32
    %scan3A_254 = arith.constant 128 : i32
    %scan3A_255 = arith.addi %scan3A_253, %scan3A_254 : i32
    %scan3A_256 = arith.constant 1 : i32
    scf.for %scan3A_282 = %scan3A_253 to %scan3A_255 step %scan3A_256  : i32 {
      %get3A = arith.index_cast %scan3A_282 : i32 to index
      %get3A_283 = arith.constant 0 : index
      %get3A_284 = tpu.vector_load %arg10[%get3A, %get3A_283] {strides = array<i32>} : memref<128x128xf32, #tpu.memory_space<vmem>>, vector<1x16xf32>,
      %get3A_285 = vector.shape_cast %get3A_284 : vector<1x16xf32> to vector<16xf32>
      %get3A_286 = arith.constant 1 : i32
      %get3A_287 = arith.index_cast %get3A_286 : i32 to index
      %get3A_288 = arith.index_cast %scan3A_282 : i32 to index
      %get3A_289 = arith.constant 0 : index
      %get3A_290 = tpu.vector_load %arg7[%get3A_287, %get3A_288, %get3A_289] {strides = array<i32>} : memref<2x128x128xf32, #tpu.memory_space<vmem>>, vector<1x1x16xf32>,
      %get3A_291 = vector.shape_cast %get3A_290 : vector<1x1x16xf32> to vector<16xf32>
      %get3A_292 = arith.index_cast %scan3A_282 : i32 to index
      %get3A_293 = arith.constant 0 : index
      %get3A_294 = tpu.vector_load %arg8[%get3A_292, %get3A_293] {strides = array<i32>} : memref<128x128xf32, #tpu.memory_space<vmem>>, vector<1x16xf32>,
      %get3A_295 = vector.shape_cast %get3A_294 : vector<1x16xf32> to vector<16xf32>
      %sub3A = arith.subf %get3A_291, %get3A_295 : vector<16xf32>
      %max3A = arith.constant 0.000000e+00 : f32
      %max3A_296 = vector.broadcast %max3A : f32 to vector<16xf32>
      %max3A_297 = arith.maximumf %sub3A, %max3A_296 : vector<16xf32>
      %add3A_298 = arith.addf %get3A_285, %max3A_297 : vector<16xf32>
      %swap3A = arith.index_cast %scan3A_282 : i32 to index
      %swap3A_299 = arith.constant 0 : index
      %swap3A_300 = tpu.vector_load %arg10[%swap3A, %swap3A_299] {strides = array<i32>} : memref<128x128xf32, #tpu.memory_space<vmem>>, vector<1x16xf32>,
      %swap3A_301 = vector.shape_cast %swap3A_300 : vector<1x16xf32> to vector<16xf32>
      %swap3A_302 = vector.shape_cast %add3A_298 : vector<16xf32> to vector<1x16xf32>
      tpu.vector_store %arg10[%swap3A, %swap3A_299], %swap3A_302 {strides = array<i32>} : memref<128x128xf32, #tpu.memory_space<vmem>>, vector<1x16xf32>,
      %get3A_303 = arith.index_cast %scan3A_282 : i32 to index
      %get3A_304 = arith.constant 16 : index
      %get3A_305 = tpu.vector_load %arg10[%get3A_303, %get3A_304] {strides = array<i32>} : memref<128x128xf32, #tpu.memory_space<vmem>>, vector<1x16xf32>,
      %get3A_306 = vector.shape_cast %get3A_305 : vector<1x16xf32> to vector<16xf32>
      %get3A_307 = arith.constant 1 : i32
      %get3A_308 = arith.index_cast %get3A_307 : i32 to index
      %get3A_309 = arith.index_cast %scan3A_282 : i32 to index
      %get3A_310 = arith.constant 16 : index
      %get3A_311 = tpu.vector_load %arg7[%get3A_308, %get3A_309, %get3A_310] {strides = array<i32>} : memref<2x128x128xf32, #tpu.memory_space<vmem>>, vector<1x1x16xf32>,
      %get3A_312 = vector.shape_cast %get3A_311 : vector<1x1x16xf32> to vector<16xf32>
      %get3A_313 = arith.index_cast %scan3A_282 : i32 to index
      %get3A_314 = arith.constant 16 : index
      %get3A_315 = tpu.vector_load %arg8[%get3A_313, %get3A_314] {strides = array<i32>} : memref<128x128xf32, #tpu.memory_space<vmem>>, vector<1x16xf32>,
      %get3A_316 = vector.shape_cast %get3A_315 : vector<1x16xf32> to vector<16xf32>
      %sub3A_317 = arith.subf %get3A_312, %get3A_316 : vector<16xf32>
      %max3A_318 = arith.constant 0.000000e+00 : f32
      %max3A_319 = vector.broadcast %max3A_318 : f32 to vector<16xf32>
      %max3A_320 = arith.maximumf %sub3A_317, %max3A_319 : vector<16xf32>
      %add3A_321 = arith.addf %get3A_306, %max3A_320 : vector<16xf32>
      %swap3A_322 = arith.index_cast %scan3A_282 : i32 to index
      %swap3A_323 = arith.constant 16 : index
      %swap3A_324 = tpu.vector_load %arg10[%swap3A_322, %swap3A_323] {strides = array<i32>} : memref<128x128xf32, #tpu.memory_space<vmem>>, vector<1x16xf32>,
      %swap3A_325 = vector.shape_cast %swap3A_324 : vector<1x16xf32> to vector<16xf32>
      %swap3A_326 = vector.shape_cast %add3A_321 : vector<16xf32> to vector<1x16xf32>
      tpu.vector_store %arg10[%swap3A_322, %swap3A_323], %swap3A_326 {strides = array<i32>} : memref<128x128xf32, #tpu.memory_space<vmem>>, vector<1x16xf32>,
      %get3A_327 = arith.index_cast %scan3A_282 : i32 to index
      %get3A_328 = arith.constant 32 : index
      %get3A_329 = tpu.vector_load %arg10[%get3A_327, %get3A_328] {strides = array<i32>} : memref<128x128xf32, #tpu.memory_space<vmem>>, vector<1x16xf32>,
      %get3A_330 = vector.shape_cast %get3A_329 : vector<1x16xf32> to vector<16xf32>
      %get3A_331 = arith.constant 1 : i32
      %get3A_332 = arith.index_cast %get3A_331 : i32 to index
      %get3A_333 = arith.index_cast %scan3A_282 : i32 to index
      %get3A_334 = arith.constant 32 : index
      %get3A_335 = tpu.vector_load %arg7[%get3A_332, %get3A_333, %get3A_334] {strides = array<i32>} : memref<2x128x128xf32, #tpu.memory_space<vmem>>, vector<1x1x16xf32>,
      %get3A_336 = vector.shape_cast %get3A_335 : vector<1x1x16xf32> to vector<16xf32>
      %get3A_337 = arith.index_cast %scan3A_282 : i32 to index
      %get3A_338 = arith.constant 32 : index
      %get3A_339 = tpu.vector_load %arg8[%get3A_337, %get3A_338] {strides = array<i32>} : memref<128x128xf32, #tpu.memory_space<vmem>>, vector<1x16xf32>,
      %get3A_340 = vector.shape_cast %get3A_339 : vector<1x16xf32> to vector<16xf32>
      %sub3A_341 = arith.subf %get3A_336, %get3A_340 : vector<16xf32>
      %max3A_342 = arith.constant 0.000000e+00 : f32
      %max3A_343 = vector.broadcast %max3A_342 : f32 to vector<16xf32>
      %max3A_344 = arith.maximumf %sub3A_341, %max3A_343 : vector<16xf32>
      %add3A_345 = arith.addf %get3A_330, %max3A_344 : vector<16xf32>
      %swap3A_346 = arith.index_cast %scan3A_282 : i32 to index
      %swap3A_347 = arith.constant 32 : index
      %swap3A_348 = tpu.vector_load %arg10[%swap3A_346, %swap3A_347] {strides = array<i32>} : memref<128x128xf32, #tpu.memory_space<vmem>>, vector<1x16xf32>,
      %swap3A_349 = vector.shape_cast %swap3A_348 : vector<1x16xf32> to vector<16xf32>
      %swap3A_350 = vector.shape_cast %add3A_345 : vector<16xf32> to vector<1x16xf32>
      tpu.vector_store %arg10[%swap3A_346, %swap3A_347], %swap3A_350 {strides = array<i32>} : memref<128x128xf32, #tpu.memory_space<vmem>>, vector<1x16xf32>,
    }
    %scan3A_257 = arith.constant 128 : i32
    %dma_wait3A_258 = arith.constant 8 : i32
    %dma_wait3A_259 = arith.constant 0 : i32
    %dma_wait3A_260 = arith.constant 0 : i32
    %dma_wait3A_261 = arith.constant 0 : i32
    %dma_wait3A_262 = tpu.memref_slice %arg7[%dma_wait3A_259, %dma_wait3A_260, %dma_wait3A_261] : memref<2x128x128xf32, #tpu.memory_space<vmem>> -> memref<1x128x128xf32, #tpu.memory_space<vmem>>
    %dma_wait3A_263 = tpu.memref_squeeze %dma_wait3A_262 : memref<1x128x128xf32, #tpu.memory_space<vmem>> -> memref<128x128xf32, #tpu.memory_space<vmem>>
    %dma_wait3A_264 = arith.constant 0 : i32
    %dma_wait3A_265 = tpu.memref_slice %arg6[%dma_wait3A_258, %dma_wait3A_264] : memref<9x128xi32, #tpu.memory_space<vmem>> -> memref<1x128xi32, #tpu.memory_space<vmem>>
    %dma_wait3A_266 = tpu.memref_squeeze %dma_wait3A_265 : memref<1x128xi32, #tpu.memory_space<vmem>> -> memref<128xi32, #tpu.memory_space<vmem>>
    %dma_wait3A_267 = arith.constant 0 : i32
    %dma_wait3A_268 = arith.constant 0 : i32
    %dma_wait3A_269 = tpu.memref_slice %arg2[%dma_wait3A_267, %dma_wait3A_268] : memref<4096x128xf32, #tpu.memory_space<hbm>> -> memref<4096x128xf32, #tpu.memory_space<hbm>>
    tpu.wait_indirect_dma semaphore(%arg11 : memref<!tpu.dma_semaphore, #tpu.memory_space<semaphore_mem>>) src(%dma_wait3A_269 : memref<4096x128xf32, #tpu.memory_space<hbm>>) dst(%dma_wait3A_263 : memref<128x128xf32, #tpu.memory_space<vmem>>)
    %scan3A_270 = arith.constant 0 : i32
    %scan3A_271 = arith.constant 0 : i32
    %scan3A_272 = arith.constant 128 : i32
    %scan3A_273 = arith.addi %scan3A_271, %scan3A_272 : i32
    %scan3A_274 = arith.constant 1 : i32
    scf.for %scan3A_282 = %scan3A_271 to %scan3A_273 step %scan3A_274  : i32 {
      %get3A = arith.index_cast %scan3A_282 : i32 to index
      %get3A_283 = arith.constant 0 : index
      %get3A_284 = tpu.vector_load %arg10[%get3A, %get3A_283] {strides = array<i32>} : memref<128x128xf32, #tpu.memory_space<vmem>>, vector<1x16xf32>,
      %get3A_285 = vector.shape_cast %get3A_284 : vector<1x16xf32> to vector<16xf32>
      %get3A_286 = arith.constant 0 : i32
      %get3A_287 = arith.index_cast %get3A_286 : i32 to index
      %get3A_288 = arith.index_cast %scan3A_282 : i32 to index
      %get3A_289 = arith.constant 0 : index
      %get3A_290 = tpu.vector_load %arg7[%get3A_287, %get3A_288, %get3A_289] {strides = array<i32>} : memref<2x128x128xf32, #tpu.memory_space<vmem>>, vector<1x1x16xf32>,
      %get3A_291 = vector.shape_cast %get3A_290 : vector<1x1x16xf32> to vector<16xf32>
      %get3A_292 = arith.index_cast %scan3A_282 : i32 to index
      %get3A_293 = arith.constant 0 : index
      %get3A_294 = tpu.vector_load %arg8[%get3A_292, %get3A_293] {strides = array<i32>} : memref<128x128xf32, #tpu.memory_space<vmem>>, vector<1x16xf32>,
      %get3A_295 = vector.shape_cast %get3A_294 : vector<1x16xf32> to vector<16xf32>
      %sub3A = arith.subf %get3A_291, %get3A_295 : vector<16xf32>
      %max3A = arith.constant 0.000000e+00 : f32
      %max3A_296 = vector.broadcast %max3A : f32 to vector<16xf32>
      %max3A_297 = arith.maximumf %sub3A, %max3A_296 : vector<16xf32>
      %add3A_298 = arith.addf %get3A_285, %max3A_297 : vector<16xf32>
      %swap3A = arith.index_cast %scan3A_282 : i32 to index
      %swap3A_299 = arith.constant 0 : index
      %swap3A_300 = tpu.vector_load %arg10[%swap3A, %swap3A_299] {strides = array<i32>} : memref<128x128xf32, #tpu.memory_space<vmem>>, vector<1x16xf32>,
      %swap3A_301 = vector.shape_cast %swap3A_300 : vector<1x16xf32> to vector<16xf32>
      %swap3A_302 = vector.shape_cast %add3A_298 : vector<16xf32> to vector<1x16xf32>
      tpu.vector_store %arg10[%swap3A, %swap3A_299], %swap3A_302 {strides = array<i32>} : memref<128x128xf32, #tpu.memory_space<vmem>>, vector<1x16xf32>,
      %get3A_303 = arith.index_cast %scan3A_282 : i32 to index
      %get3A_304 = arith.constant 16 : index
      %get3A_305 = tpu.vector_load %arg10[%get3A_303, %get3A_304] {strides = array<i32>} : memref<128x128xf32, #tpu.memory_space<vmem>>, vector<1x16xf32>,
      %get3A_306 = vector.shape_cast %get3A_305 : vector<1x16xf32> to vector<16xf32>
      %get3A_307 = arith.constant 0 : i32
      %get3A_308 = arith.index_cast %get3A_307 : i32 to index
      %get3A_309 = arith.index_cast %scan3A_282 : i32 to index
      %get3A_310 = arith.constant 16 : index
      %get3A_311 = tpu.vector_load %arg7[%get3A_308, %get3A_309, %get3A_310] {strides = array<i32>} : memref<2x128x128xf32, #tpu.memory_space<vmem>>, vector<1x1x16xf32>,
      %get3A_312 = vector.shape_cast %get3A_311 : vector<1x1x16xf32> to vector<16xf32>
      %get3A_313 = arith.index_cast %scan3A_282 : i32 to index
      %get3A_314 = arith.constant 16 : index
      %get3A_315 = tpu.vector_load %arg8[%get3A_313, %get3A_314] {strides = array<i32>} : memref<128x128xf32, #tpu.memory_space<vmem>>, vector<1x16xf32>,
      %get3A_316 = vector.shape_cast %get3A_315 : vector<1x16xf32> to vector<16xf32>
      %sub3A_317 = arith.subf %get3A_312, %get3A_316 : vector<16xf32>
      %max3A_318 = arith.constant 0.000000e+00 : f32
      %max3A_319 = vector.broadcast %max3A_318 : f32 to vector<16xf32>
      %max3A_320 = arith.maximumf %sub3A_317, %max3A_319 : vector<16xf32>
      %add3A_321 = arith.addf %get3A_306, %max3A_320 : vector<16xf32>
      %swap3A_322 = arith.index_cast %scan3A_282 : i32 to index
      %swap3A_323 = arith.constant 16 : index
      %swap3A_324 = tpu.vector_load %arg10[%swap3A_322, %swap3A_323] {strides = array<i32>} : memref<128x128xf32, #tpu.memory_space<vmem>>, vector<1x16xf32>,
      %swap3A_325 = vector.shape_cast %swap3A_324 : vector<1x16xf32> to vector<16xf32>
      %swap3A_326 = vector.shape_cast %add3A_321 : vector<16xf32> to vector<1x16xf32>
      tpu.vector_store %arg10[%swap3A_322, %swap3A_323], %swap3A_326 {strides = array<i32>} : memref<128x128xf32, #tpu.memory_space<vmem>>, vector<1x16xf32>,
      %get3A_327 = arith.index_cast %scan3A_282 : i32 to index
      %get3A_328 = arith.constant 32 : index
      %get3A_329 = tpu.vector_load %arg10[%get3A_327, %get3A_328] {strides = array<i32>} : memref<128x128xf32, #tpu.memory_space<vmem>>, vector<1x16xf32>,
      %get3A_330 = vector.shape_cast %get3A_329 : vector<1x16xf32> to vector<16xf32>
      %get3A_331 = arith.constant 0 : i32
      %get3A_332 = arith.index_cast %get3A_331 : i32 to index
      %get3A_333 = arith.index_cast %scan3A_282 : i32 to index
      %get3A_334 = arith.constant 32 : index
      %get3A_335 = tpu.vector_load %arg7[%get3A_332, %get3A_333, %get3A_334] {strides = array<i32>} : memref<2x128x128xf32, #tpu.memory_space<vmem>>, vector<1x1x16xf32>,
      %get3A_336 = vector.shape_cast %get3A_335 : vector<1x1x16xf32> to vector<16xf32>
      %get3A_337 = arith.index_cast %scan3A_282 : i32 to index
      %get3A_338 = arith.constant 32 : index
      %get3A_339 = tpu.vector_load %arg8[%get3A_337, %get3A_338] {strides = array<i32>} : memref<128x128xf32, #tpu.memory_space<vmem>>, vector<1x16xf32>,
      %get3A_340 = vector.shape_cast %get3A_339 : vector<1x16xf32> to vector<16xf32>
      %sub3A_341 = arith.subf %get3A_336, %get3A_340 : vector<16xf32>
      %max3A_342 = arith.constant 0.000000e+00 : f32
      %max3A_343 = vector.broadcast %max3A_342 : f32 to vector<16xf32>
      %max3A_344 = arith.maximumf %sub3A_341, %max3A_343 : vector<16xf32>
      %add3A_345 = arith.addf %get3A_330, %max3A_344 : vector<16xf32>
      %swap3A_346 = arith.index_cast %scan3A_282 : i32 to index
      %swap3A_347 = arith.constant 32 : index
      %swap3A_348 = tpu.vector_load %arg10[%swap3A_346, %swap3A_347] {strides = array<i32>} : memref<128x128xf32, #tpu.memory_space<vmem>>, vector<1x16xf32>,
      %swap3A_349 = vector.shape_cast %swap3A_348 : vector<1x16xf32> to vector<16xf32>
      %swap3A_350 = vector.shape_cast %add3A_345 : vector<16xf32> to vector<1x16xf32>
      tpu.vector_store %arg10[%swap3A_346, %swap3A_347], %swap3A_350 {strides = array<i32>} : memref<128x128xf32, #tpu.memory_space<vmem>>, vector<1x16xf32>,
    }
    %scan3A_275 = arith.constant 128 : i32
    %scan3A_276 = arith.constant 0 : i32
    %scan3A_277 = arith.constant 0 : i32
    %scan3A_278 = arith.constant 128 : i32
    %scan3A_279 = arith.addi %scan3A_277, %scan3A_278 : i32
    %scan3A_280 = arith.constant 1 : i32
    scf.for %scan3A_282 = %scan3A_277 to %scan3A_279 step %scan3A_280  : i32 {
      %get3A = arith.index_cast %scan3A_282 : i32 to index
      %get3A_283 = arith.constant 0 : index
      %get3A_284 = tpu.vector_load %arg10[%get3A, %get3A_283] {strides = array<i32>} : memref<128x128xf32, #tpu.memory_space<vmem>>, vector<1x16xf32>,
      %get3A_285 = vector.shape_cast %get3A_284 : vector<1x16xf32> to vector<16xf32>
      %mul3A_286 = arith.constant 0.111111112 : f32
      %mul3A_287 = vector.broadcast %mul3A_286 : f32 to vector<16xf32>
      %mul3A_288 = arith.mulf %get3A_285, %mul3A_287 : vector<16xf32>
      %swap3A = arith.index_cast %scan3A_282 : i32 to index
      %swap3A_289 = arith.constant 0 : index
      %swap3A_290 = tpu.vector_load %arg10[%swap3A, %swap3A_289] {strides = array<i32>} : memref<128x128xf32, #tpu.memory_space<vmem>>, vector<1x16xf32>,
      %swap3A_291 = vector.shape_cast %swap3A_290 : vector<1x16xf32> to vector<16xf32>
      %swap3A_292 = vector.shape_cast %mul3A_288 : vector<16xf32> to vector<1x16xf32>
      tpu.vector_store %arg10[%swap3A, %swap3A_289], %swap3A_292 {strides = array<i32>} : memref<128x128xf32, #tpu.memory_space<vmem>>, vector<1x16xf32>,
      %get3A_293 = arith.index_cast %scan3A_282 : i32 to index
      %get3A_294 = arith.constant 16 : index
      %get3A_295 = tpu.vector_load %arg10[%get3A_293, %get3A_294] {strides = array<i32>} : memref<128x128xf32, #tpu.memory_space<vmem>>, vector<1x16xf32>,
      %get3A_296 = vector.shape_cast %get3A_295 : vector<1x16xf32> to vector<16xf32>
      %mul3A_297 = arith.constant 0.111111112 : f32
      %mul3A_298 = vector.broadcast %mul3A_297 : f32 to vector<16xf32>
      %mul3A_299 = arith.mulf %get3A_296, %mul3A_298 : vector<16xf32>
      %swap3A_300 = arith.index_cast %scan3A_282 : i32 to index
      %swap3A_301 = arith.constant 16 : index
      %swap3A_302 = tpu.vector_load %arg10[%swap3A_300, %swap3A_301] {strides = array<i32>} : memref<128x128xf32, #tpu.memory_space<vmem>>, vector<1x16xf32>,
      %swap3A_303 = vector.shape_cast %swap3A_302 : vector<1x16xf32> to vector<16xf32>
      %swap3A_304 = vector.shape_cast %mul3A_299 : vector<16xf32> to vector<1x16xf32>
      tpu.vector_store %arg10[%swap3A_300, %swap3A_301], %swap3A_304 {strides = array<i32>} : memref<128x128xf32, #tpu.memory_space<vmem>>, vector<1x16xf32>,
      %get3A_305 = arith.index_cast %scan3A_282 : i32 to index
      %get3A_306 = arith.constant 32 : index
      %get3A_307 = tpu.vector_load %arg10[%get3A_305, %get3A_306] {strides = array<i32>} : memref<128x128xf32, #tpu.memory_space<vmem>>, vector<1x16xf32>,
      %get3A_308 = vector.shape_cast %get3A_307 : vector<1x16xf32> to vector<16xf32>
      %mul3A_309 = arith.constant 0.111111112 : f32
      %mul3A_310 = vector.broadcast %mul3A_309 : f32 to vector<16xf32>
      %mul3A_311 = arith.mulf %get3A_308, %mul3A_310 : vector<16xf32>
      %swap3A_312 = arith.index_cast %scan3A_282 : i32 to index
      %swap3A_313 = arith.constant 32 : index
      %swap3A_314 = tpu.vector_load %arg10[%swap3A_312, %swap3A_313] {strides = array<i32>} : memref<128x128xf32, #tpu.memory_space<vmem>>, vector<1x16xf32>,
      %swap3A_315 = vector.shape_cast %swap3A_314 : vector<1x16xf32> to vector<16xf32>
      %swap3A_316 = vector.shape_cast %mul3A_311 : vector<16xf32> to vector<1x16xf32>
      tpu.vector_store %arg10[%swap3A_312, %swap3A_313], %swap3A_316 {strides = array<i32>} : memref<128x128xf32, #tpu.memory_space<vmem>>, vector<1x16xf32>,
    }
    %scan3A_281 = arith.constant 128 : i32
    "tpu.region"() ({
      %run_scoped3A = tpu.sem_alloc : memref<!tpu.dma_semaphore, #tpu.memory_space<semaphore_mem>>
      %dma_start3A_282 = arith.constant 0 : i32
      %dma_start3A_283 = tpu.memref_slice %arg5[%mul3A_2, %dma_start3A_282] : memref<4096x128xf32, #tpu.memory_space<hbm>> -> memref<128x128xf32, #tpu.memory_space<hbm>>
      %dma_start3A_284 = arith.constant 0 : i32
      %dma_start3A_285 = tpu.memref_slice %arg5[%mul3A_2, %dma_start3A_284] : memref<4096x128xf32, #tpu.memory_space<hbm>> -> memref<128x128xf32, #tpu.memory_space<hbm>>
      tpu.enqueue_dma source(%arg10 : memref<128x128xf32, #tpu.memory_space<vmem>>) target(%dma_start3A_285 : memref<128x128xf32, #tpu.memory_space<hbm>>) target_semaphore(%run_scoped3A : memref<!tpu.dma_semaphore, #tpu.memory_space<semaphore_mem>>)
      %dma_wait3A_286 = arith.constant 0 : i32
      %dma_wait3A_287 = tpu.memref_slice %arg5[%mul3A_2, %dma_wait3A_286] : memref<4096x128xf32, #tpu.memory_space<hbm>> -> memref<128x128xf32, #tpu.memory_space<hbm>>
      %dma_wait3A_288 = arith.constant 0 : i32
      %dma_wait3A_289 = tpu.memref_slice %arg5[%mul3A_2, %dma_wait3A_288] : memref<4096x128xf32, #tpu.memory_space<hbm>> -> memref<128x128xf32, #tpu.memory_space<hbm>>
      tpu.wait_dma2 semaphore(%run_scoped3A : memref<!tpu.dma_semaphore, #tpu.memory_space<semaphore_mem>>) src(%arg10 : memref<128x128xf32, #tpu.memory_space<vmem>>) dst(%dma_wait3A_289 : memref<128x128xf32, #tpu.memory_space<hbm>>)
      tpu.yield
    }) : () -> ()
    return
  }
}

module attributes {stable_mosaic.version = 14 : i64} {
  func.func @_tc_body(%arg0: i32, %arg1: i32, %arg2: memref<1x256x96xf32, #tpu.memory_space<vmem>>, %arg3: memref<1x1024x96xf32, #tpu.memory_space<vmem>>, %arg4: memref<96x96xf32, #tpu.memory_space<vmem>>, %arg5: memref<1x96xf32, #tpu.memory_space<vmem>>, %arg6: memref<1x256x48xf32, #tpu.memory_space<vmem>>, %arg7: memref<1x256x128xf32, #tpu.memory_space<vmem>>, %arg8: memref<1x9x256xi32, #tpu.memory_space<vmem>>) attributes {dimension_semantics = [#tpu.dimension_semantics<arbitrary>, #tpu.dimension_semantics<arbitrary>], iteration_bounds = array<i64: 4, 4>, scalar_prefetch = 0 : i64, scratch_operands = 0 : i64, tpu.core_type = #tpu.core_type<tc>, window_params = [{transform_indices = @transform_0, window_bounds = array<i64: 1, 256, 96>}, {transform_indices = @transform_1, window_bounds = array<i64: 1, 1024, 96>}, {pipeline_mode = #tpu.pipeline_mode<synchronous>, transform_indices = @transform_2, window_bounds = array<i64: 96, 96>}, {pipeline_mode = #tpu.pipeline_mode<synchronous>, transform_indices = @transform_3, window_bounds = array<i64: 1, 96>}, {transform_indices = @transform_4, window_bounds = array<i64: 1, 256, 48>}, {transform_indices = @transform_5, window_bounds = array<i64: 1, 256, 128>}, {transform_indices = @transform_6, window_bounds = array<i64: 1, 9, 256>}]} {
    %get3A = arith.constant 0 : index
    %get3A_0 = arith.constant 0 : index
    %get3A_1 = arith.constant 0 : index
    %get3A_2 = vector.load %arg2[%get3A, %get3A_0, %get3A_1] : memref<1x256x96xf32, #tpu.memory_space<vmem>>, vector<1x256x96xf32>
    %get3A_3 = vector.shape_cast %get3A_2 : vector<1x256x96xf32> to vector<256x96xf32>
    %get3A_4 = arith.constant 0 : index
    %get3A_5 = arith.constant 0 : index
    %get3A_6 = arith.constant 0 : index
    %get3A_7 = vector.load %arg3[%get3A_4, %get3A_5, %get3A_6] : memref<1x1024x96xf32, #tpu.memory_space<vmem>>, vector<1x1024x96xf32>
    %get3A_8 = vector.shape_cast %get3A_7 : vector<1x1024x96xf32> to vector<1024x96xf32>
    %mul3A = arith.mulf %get3A_8, %get3A_8 : vector<1024x96xf32>
    %reduce_sum3A = arith.constant dense<0.000000e+00> : vector<1024xf32>
    %reduce_sum3A_9 = vector.multi_reduction <add>, %mul3A, %reduce_sum3A [1] : vector<1024x96xf32> to vector<1024xf32>
    %broadcast_in_dim3A = vector.shape_cast %reduce_sum3A_9 : vector<1024xf32> to vector<1024x1xf32>
    %sqrt3A = math.sqrt %broadcast_in_dim3A : vector<1024x1xf32>
    %max3A = arith.constant 9.99999996E-13 : f32
    %max3A_10 = vector.broadcast %max3A : f32 to vector<1024x1xf32>
    %max3A_11 = arith.maximumf %sqrt3A, %max3A_10 : vector<1024x1xf32>
    %div3A = vector.broadcast %max3A_11 : vector<1024x1xf32> to vector<1024x96xf32>
    %div3A_12 = arith.divf %get3A_8, %div3A : vector<1024x96xf32>
    %mul3A_13 = arith.mulf %get3A_3, %get3A_3 : vector<256x96xf32>
    %reduce_sum3A_14 = arith.constant dense<0.000000e+00> : vector<256xf32>
    %reduce_sum3A_15 = vector.multi_reduction <add>, %mul3A_13, %reduce_sum3A_14 [1] : vector<256x96xf32> to vector<256xf32>
    %broadcast_in_dim3A_16 = vector.shape_cast %reduce_sum3A_15 : vector<256xf32> to vector<256x1xf32>
    %sqrt3A_17 = math.sqrt %broadcast_in_dim3A_16 : vector<256x1xf32>
    %max3A_18 = arith.constant 9.99999996E-13 : f32
    %max3A_19 = vector.broadcast %max3A_18 : f32 to vector<256x1xf32>
    %max3A_20 = arith.maximumf %sqrt3A_17, %max3A_19 : vector<256x1xf32>
    %div3A_21 = vector.broadcast %max3A_20 : vector<256x1xf32> to vector<256x96xf32>
    %div3A_22 = arith.divf %get3A_3, %div3A_21 : vector<256x96xf32>
    %dot_general3A = arith.constant dense<0.000000e+00> : vector<256x1024xf32>
    %dot_general3A_23 = tpu.matmul %div3A_22, %div3A_12, %dot_general3A {dimension_numbers = #tpu.dot_dimension_numbers<[1], [1], [0], [0], [0, 0, 1, 0], [], []>, transpose_lhs_hint = false} : vector<256x96xf32>, vector<1024x96xf32>, vector<256x1024xf32> -> vector<256x1024xf32>
    %mul3A_24 = arith.mulf %div3A_12, %div3A_12 : vector<1024x96xf32>
    %reduce_sum3A_25 = arith.constant dense<0.000000e+00> : vector<1024xf32>
    %reduce_sum3A_26 = vector.multi_reduction <add>, %mul3A_24, %reduce_sum3A_25 [1] : vector<1024x96xf32> to vector<1024xf32>
    %mul3A_27 = arith.mulf %div3A_22, %div3A_22 : vector<256x96xf32>
    %reduce_sum3A_28 = arith.constant dense<0.000000e+00> : vector<256xf32>
    %reduce_sum3A_29 = vector.multi_reduction <add>, %mul3A_27, %reduce_sum3A_28 [1] : vector<256x96xf32> to vector<256xf32>
    %broadcast_in_dim3A_30 = vector.shape_cast %reduce_sum3A_29 : vector<256xf32> to vector<256x1xf32>
    %mul3A_31 = arith.constant -2.000000e+00 : f32
    %mul3A_32 = vector.broadcast %mul3A_31 : f32 to vector<256x1024xf32>
    %mul3A_33 = arith.mulf %mul3A_32, %dot_general3A_23 : vector<256x1024xf32>
    %add3A = vector.broadcast %broadcast_in_dim3A_30 : vector<256x1xf32> to vector<256x1024xf32>
    %add3A_34 = arith.addf %add3A, %mul3A_33 : vector<256x1024xf32>
    %broadcast_in_dim3A_35 = vector.shape_cast %reduce_sum3A_26 : vector<1024xf32> to vector<1x1024xf32>
    %add3A_36 = vector.broadcast %broadcast_in_dim3A_35 : vector<1x1024xf32> to vector<256x1024xf32>
    %add3A_37 = arith.addf %add3A_34, %add3A_36 : vector<256x1024xf32>
    %neg3A = arith.constant 0.000000e+00 : f32
    %neg3A_38 = vector.broadcast %neg3A : f32 to vector<256x1024xf32>
    %neg3A_39 = arith.subf %neg3A_38, %add3A_37 : vector<256x1024xf32>
    %get3A_40 = arith.constant 0 : index
    %get3A_41 = arith.constant 0 : index
    %get3A_42 = vector.load %arg4[%get3A_40, %get3A_41] : memref<96x96xf32, #tpu.memory_space<vmem>>, vector<96x96xf32>
    %dot_general3A_43 = arith.constant dense<0.000000e+00> : vector<256x96xf32>
    %dot_general3A_44 = tpu.matmul %get3A_3, %get3A_42, %dot_general3A_43 {dimension_numbers = #tpu.dot_dimension_numbers<[1], [1], [0], [0], [0, 0, 1, 0], [], []>, transpose_lhs_hint = false} : vector<256x96xf32>, vector<96x96xf32>, vector<256x96xf32> -> vector<256x96xf32>
    %get3A_45 = arith.constant 0 : index
    %get3A_46 = arith.constant 0 : index
    %get3A_47 = vector.load %arg5[%get3A_45, %get3A_46] : memref<1x96xf32, #tpu.memory_space<vmem>>, vector<1x96xf32>
    %get3A_48 = vector.shape_cast %get3A_47 : vector<1x96xf32> to vector<96xf32>
    %slice3A = vector.extract_strided_slice %dot_general3A_44 {offsets = [0, 0], sizes = [256, 48], strides = [1, 1]} : vector<256x96xf32> to vector<256x48xf32>
    %slice3A_49 = vector.extract_strided_slice %get3A_48 {offsets = [0], sizes = [48], strides = [1]} : vector<96xf32> to vector<48xf32>
    %broadcast_in_dim3A_50 = vector.shape_cast %slice3A_49 : vector<48xf32> to vector<1x48xf32>
    %add3A_51 = vector.broadcast %broadcast_in_dim3A_50 : vector<1x48xf32> to vector<256x48xf32>
    %add3A_52 = arith.addf %slice3A, %add3A_51 : vector<256x48xf32>
    %max3A_53 = arith.constant 0.000000e+00 : f32
    %max3A_54 = vector.broadcast %max3A_53 : f32 to vector<256x48xf32>
    %max3A_55 = arith.maximumf %add3A_52, %max3A_54 : vector<256x48xf32>
    %swap3A = arith.constant 0 : index
    %swap3A_56 = arith.constant 0 : index
    %swap3A_57 = arith.constant 0 : index
    %swap3A_58 = vector.load %arg6[%swap3A, %swap3A_56, %swap3A_57] : memref<1x256x48xf32, #tpu.memory_space<vmem>>, vector<1x256x48xf32>
    %swap3A_59 = vector.shape_cast %swap3A_58 : vector<1x256x48xf32> to vector<256x48xf32>
    %swap3A_60 = vector.shape_cast %max3A_55 : vector<256x48xf32> to vector<1x256x48xf32>
    tpu.vector_store %arg6[%swap3A, %swap3A_56, %swap3A_57], %swap3A_60 {strides = array<i32>} : memref<1x256x48xf32, #tpu.memory_space<vmem>>, vector<1x256x48xf32>,
    %slice3A_61 = vector.extract_strided_slice %dot_general3A_44 {offsets = [0, 48], sizes = [256, 48], strides = [1, 1]} : vector<256x96xf32> to vector<256x48xf32>
    %swap3A_62 = arith.constant 0 : index
    %swap3A_63 = arith.constant 0 : index
    %swap3A_64 = arith.constant 0 : index
    %swap3A_65 = vector.load %arg7[%swap3A_62, %swap3A_63, %swap3A_64] : memref<1x256x128xf32, #tpu.memory_space<vmem>>, vector<1x256x48xf32>
    %swap3A_66 = vector.shape_cast %swap3A_65 : vector<1x256x48xf32> to vector<256x48xf32>
    %swap3A_67 = vector.shape_cast %slice3A_61 : vector<256x48xf32> to vector<1x256x48xf32>
    tpu.vector_store %arg7[%swap3A_62, %swap3A_63, %swap3A_64], %swap3A_67 {strides = array<i32>} : memref<1x256x128xf32, #tpu.memory_space<vmem>>, vector<1x256x48xf32>,
    %iota3A = tpu.iota {dimensions = array<i32: 1>} : vector<256x1024xi32>
    %convert_element_type3A = arith.sitofp %iota3A : vector<256x1024xi32> to vector<256x1024xf32>
    %mul3A_68 = arith.constant 1024 : i32
    %mul3A_69 = arith.muli %arg0, %mul3A_68 : i32
    %convert_element_type3A_70 = arith.sitofp %mul3A_69 : i32 to f32
    %reduce_max3A = arith.constant dense<0xFF800000> : vector<256xf32>
    %reduce_max3A_71 = vector.multi_reduction <maximumf>, %neg3A_39, %reduce_max3A [1] : vector<256x1024xf32> to vector<256xf32>
    %broadcast_in_dim3A_72 = vector.shape_cast %reduce_max3A_71 : vector<256xf32> to vector<256x1xf32>
    %eq3A = vector.broadcast %broadcast_in_dim3A_72 : vector<256x1xf32> to vector<256x1024xf32>
    %eq3A_73 = arith.cmpf oeq, %neg3A_39, %eq3A : vector<256x1024xf32>
    %jit3A = arith.constant 0.000000e+00 : f32
    %broadcast_in_dim3A_74 = vector.broadcast %jit3A : f32 to vector<256x1024xf32>
    %select_n3A = arith.select %eq3A_73, %convert_element_type3A, %broadcast_in_dim3A_74 : vector<256x1024xi1>, vector<256x1024xf32>
    %reduce_max3A_75 = arith.constant dense<0xFF800000> : vector<256xf32>
    %reduce_max3A_76 = vector.multi_reduction <maximumf>, %select_n3A, %reduce_max3A_75 [1] : vector<256x1024xf32> to vector<256xf32>
    %jit3A_77 = arith.constant -3.000000e+38 : f32
    %broadcast_in_dim3A_78 = vector.broadcast %jit3A_77 : f32 to vector<256x1024xf32>
    %select_n3A_79 = arith.select %eq3A_73, %broadcast_in_dim3A_78, %neg3A_39 : vector<256x1024xi1>, vector<256x1024xf32>
    %add3A_80 = vector.broadcast %convert_element_type3A_70 : f32 to vector<256xf32>
    %add3A_81 = arith.addf %reduce_max3A_76, %add3A_80 : vector<256xf32>
    %convert_element_type3A_82 = arith.fptosi %add3A_81 : vector<256xf32> to vector<256xi32>
    %swap3A_83 = arith.constant 0 : index
    %swap3A_84 = arith.constant 0 : index
    %swap3A_85 = arith.constant 0 : index
    %swap3A_86 = vector.load %arg8[%swap3A_83, %swap3A_84, %swap3A_85] : memref<1x9x256xi32, #tpu.memory_space<vmem>>, vector<1x1x256xi32>
    %swap3A_87 = vector.shape_cast %swap3A_86 : vector<1x1x256xi32> to vector<256xi32>
    %swap3A_88 = vector.shape_cast %convert_element_type3A_82 : vector<256xi32> to vector<1x1x256xi32>
    tpu.vector_store %arg8[%swap3A_83, %swap3A_84, %swap3A_85], %swap3A_88 {strides = array<i32>} : memref<1x9x256xi32, #tpu.memory_space<vmem>>, vector<1x1x256xi32>,
    %reduce_max3A_89 = arith.constant dense<0xFF800000> : vector<256xf32>
    %reduce_max3A_90 = vector.multi_reduction <maximumf>, %select_n3A_79, %reduce_max3A_89 [1] : vector<256x1024xf32> to vector<256xf32>
    %broadcast_in_dim3A_91 = vector.shape_cast %reduce_max3A_90 : vector<256xf32> to vector<256x1xf32>
    %eq3A_92 = vector.broadcast %broadcast_in_dim3A_91 : vector<256x1xf32> to vector<256x1024xf32>
    %eq3A_93 = arith.cmpf oeq, %select_n3A_79, %eq3A_92 : vector<256x1024xf32>
    %jit3A_94 = arith.constant 0.000000e+00 : f32
    %broadcast_in_dim3A_95 = vector.broadcast %jit3A_94 : f32 to vector<256x1024xf32>
    %select_n3A_96 = arith.select %eq3A_93, %convert_element_type3A, %broadcast_in_dim3A_95 : vector<256x1024xi1>, vector<256x1024xf32>
    %reduce_max3A_97 = arith.constant dense<0xFF800000> : vector<256xf32>
    %reduce_max3A_98 = vector.multi_reduction <maximumf>, %select_n3A_96, %reduce_max3A_97 [1] : vector<256x1024xf32> to vector<256xf32>
    %jit3A_99 = arith.constant -3.000000e+38 : f32
    %broadcast_in_dim3A_100 = vector.broadcast %jit3A_99 : f32 to vector<256x1024xf32>
    %select_n3A_101 = arith.select %eq3A_93, %broadcast_in_dim3A_100, %select_n3A_79 : vector<256x1024xi1>, vector<256x1024xf32>
    %add3A_102 = vector.broadcast %convert_element_type3A_70 : f32 to vector<256xf32>
    %add3A_103 = arith.addf %reduce_max3A_98, %add3A_102 : vector<256xf32>
    %convert_element_type3A_104 = arith.fptosi %add3A_103 : vector<256xf32> to vector<256xi32>
    %swap3A_105 = arith.constant 0 : index
    %swap3A_106 = arith.constant 1 : index
    %swap3A_107 = arith.constant 0 : index
    %swap3A_108 = vector.load %arg8[%swap3A_105, %swap3A_106, %swap3A_107] : memref<1x9x256xi32, #tpu.memory_space<vmem>>, vector<1x1x256xi32>
    %swap3A_109 = vector.shape_cast %swap3A_108 : vector<1x1x256xi32> to vector<256xi32>
    %swap3A_110 = vector.shape_cast %convert_element_type3A_104 : vector<256xi32> to vector<1x1x256xi32>
    tpu.vector_store %arg8[%swap3A_105, %swap3A_106, %swap3A_107], %swap3A_110 {strides = array<i32>} : memref<1x9x256xi32, #tpu.memory_space<vmem>>, vector<1x1x256xi32>,
    %reduce_max3A_111 = arith.constant dense<0xFF800000> : vector<256xf32>
    %reduce_max3A_112 = vector.multi_reduction <maximumf>, %select_n3A_101, %reduce_max3A_111 [1] : vector<256x1024xf32> to vector<256xf32>
    %broadcast_in_dim3A_113 = vector.shape_cast %reduce_max3A_112 : vector<256xf32> to vector<256x1xf32>
    %eq3A_114 = vector.broadcast %broadcast_in_dim3A_113 : vector<256x1xf32> to vector<256x1024xf32>
    %eq3A_115 = arith.cmpf oeq, %select_n3A_101, %eq3A_114 : vector<256x1024xf32>
    %jit3A_116 = arith.constant 0.000000e+00 : f32
    %broadcast_in_dim3A_117 = vector.broadcast %jit3A_116 : f32 to vector<256x1024xf32>
    %select_n3A_118 = arith.select %eq3A_115, %convert_element_type3A, %broadcast_in_dim3A_117 : vector<256x1024xi1>, vector<256x1024xf32>
    %reduce_max3A_119 = arith.constant dense<0xFF800000> : vector<256xf32>
    %reduce_max3A_120 = vector.multi_reduction <maximumf>, %select_n3A_118, %reduce_max3A_119 [1] : vector<256x1024xf32> to vector<256xf32>
    %jit3A_121 = arith.constant -3.000000e+38 : f32
    %broadcast_in_dim3A_122 = vector.broadcast %jit3A_121 : f32 to vector<256x1024xf32>
    %select_n3A_123 = arith.select %eq3A_115, %broadcast_in_dim3A_122, %select_n3A_101 : vector<256x1024xi1>, vector<256x1024xf32>
    %add3A_124 = vector.broadcast %convert_element_type3A_70 : f32 to vector<256xf32>
    %add3A_125 = arith.addf %reduce_max3A_120, %add3A_124 : vector<256xf32>
    %convert_element_type3A_126 = arith.fptosi %add3A_125 : vector<256xf32> to vector<256xi32>
    %swap3A_127 = arith.constant 0 : index
    %swap3A_128 = arith.constant 2 : index
    %swap3A_129 = arith.constant 0 : index
    %swap3A_130 = vector.load %arg8[%swap3A_127, %swap3A_128, %swap3A_129] : memref<1x9x256xi32, #tpu.memory_space<vmem>>, vector<1x1x256xi32>
    %swap3A_131 = vector.shape_cast %swap3A_130 : vector<1x1x256xi32> to vector<256xi32>
    %swap3A_132 = vector.shape_cast %convert_element_type3A_126 : vector<256xi32> to vector<1x1x256xi32>
    tpu.vector_store %arg8[%swap3A_127, %swap3A_128, %swap3A_129], %swap3A_132 {strides = array<i32>} : memref<1x9x256xi32, #tpu.memory_space<vmem>>, vector<1x1x256xi32>,
    %reduce_max3A_133 = arith.constant dense<0xFF800000> : vector<256xf32>
    %reduce_max3A_134 = vector.multi_reduction <maximumf>, %select_n3A_123, %reduce_max3A_133 [1] : vector<256x1024xf32> to vector<256xf32>
    %broadcast_in_dim3A_135 = vector.shape_cast %reduce_max3A_134 : vector<256xf32> to vector<256x1xf32>
    %eq3A_136 = vector.broadcast %broadcast_in_dim3A_135 : vector<256x1xf32> to vector<256x1024xf32>
    %eq3A_137 = arith.cmpf oeq, %select_n3A_123, %eq3A_136 : vector<256x1024xf32>
    %jit3A_138 = arith.constant 0.000000e+00 : f32
    %broadcast_in_dim3A_139 = vector.broadcast %jit3A_138 : f32 to vector<256x1024xf32>
    %select_n3A_140 = arith.select %eq3A_137, %convert_element_type3A, %broadcast_in_dim3A_139 : vector<256x1024xi1>, vector<256x1024xf32>
    %reduce_max3A_141 = arith.constant dense<0xFF800000> : vector<256xf32>
    %reduce_max3A_142 = vector.multi_reduction <maximumf>, %select_n3A_140, %reduce_max3A_141 [1] : vector<256x1024xf32> to vector<256xf32>
    %jit3A_143 = arith.constant -3.000000e+38 : f32
    %broadcast_in_dim3A_144 = vector.broadcast %jit3A_143 : f32 to vector<256x1024xf32>
    %select_n3A_145 = arith.select %eq3A_137, %broadcast_in_dim3A_144, %select_n3A_123 : vector<256x1024xi1>, vector<256x1024xf32>
    %add3A_146 = vector.broadcast %convert_element_type3A_70 : f32 to vector<256xf32>
    %add3A_147 = arith.addf %reduce_max3A_142, %add3A_146 : vector<256xf32>
    %convert_element_type3A_148 = arith.fptosi %add3A_147 : vector<256xf32> to vector<256xi32>
    %swap3A_149 = arith.constant 0 : index
    %swap3A_150 = arith.constant 3 : index
    %swap3A_151 = arith.constant 0 : index
    %swap3A_152 = vector.load %arg8[%swap3A_149, %swap3A_150, %swap3A_151] : memref<1x9x256xi32, #tpu.memory_space<vmem>>, vector<1x1x256xi32>
    %swap3A_153 = vector.shape_cast %swap3A_152 : vector<1x1x256xi32> to vector<256xi32>
    %swap3A_154 = vector.shape_cast %convert_element_type3A_148 : vector<256xi32> to vector<1x1x256xi32>
    tpu.vector_store %arg8[%swap3A_149, %swap3A_150, %swap3A_151], %swap3A_154 {strides = array<i32>} : memref<1x9x256xi32, #tpu.memory_space<vmem>>, vector<1x1x256xi32>,
    %reduce_max3A_155 = arith.constant dense<0xFF800000> : vector<256xf32>
    %reduce_max3A_156 = vector.multi_reduction <maximumf>, %select_n3A_145, %reduce_max3A_155 [1] : vector<256x1024xf32> to vector<256xf32>
    %broadcast_in_dim3A_157 = vector.shape_cast %reduce_max3A_156 : vector<256xf32> to vector<256x1xf32>
    %eq3A_158 = vector.broadcast %broadcast_in_dim3A_157 : vector<256x1xf32> to vector<256x1024xf32>
    %eq3A_159 = arith.cmpf oeq, %select_n3A_145, %eq3A_158 : vector<256x1024xf32>
    %jit3A_160 = arith.constant 0.000000e+00 : f32
    %broadcast_in_dim3A_161 = vector.broadcast %jit3A_160 : f32 to vector<256x1024xf32>
    %select_n3A_162 = arith.select %eq3A_159, %convert_element_type3A, %broadcast_in_dim3A_161 : vector<256x1024xi1>, vector<256x1024xf32>
    %reduce_max3A_163 = arith.constant dense<0xFF800000> : vector<256xf32>
    %reduce_max3A_164 = vector.multi_reduction <maximumf>, %select_n3A_162, %reduce_max3A_163 [1] : vector<256x1024xf32> to vector<256xf32>
    %jit3A_165 = arith.constant -3.000000e+38 : f32
    %broadcast_in_dim3A_166 = vector.broadcast %jit3A_165 : f32 to vector<256x1024xf32>
    %select_n3A_167 = arith.select %eq3A_159, %broadcast_in_dim3A_166, %select_n3A_145 : vector<256x1024xi1>, vector<256x1024xf32>
    %add3A_168 = vector.broadcast %convert_element_type3A_70 : f32 to vector<256xf32>
    %add3A_169 = arith.addf %reduce_max3A_164, %add3A_168 : vector<256xf32>
    %convert_element_type3A_170 = arith.fptosi %add3A_169 : vector<256xf32> to vector<256xi32>
    %swap3A_171 = arith.constant 0 : index
    %swap3A_172 = arith.constant 4 : index
    %swap3A_173 = arith.constant 0 : index
    %swap3A_174 = vector.load %arg8[%swap3A_171, %swap3A_172, %swap3A_173] : memref<1x9x256xi32, #tpu.memory_space<vmem>>, vector<1x1x256xi32>
    %swap3A_175 = vector.shape_cast %swap3A_174 : vector<1x1x256xi32> to vector<256xi32>
    %swap3A_176 = vector.shape_cast %convert_element_type3A_170 : vector<256xi32> to vector<1x1x256xi32>
    tpu.vector_store %arg8[%swap3A_171, %swap3A_172, %swap3A_173], %swap3A_176 {strides = array<i32>} : memref<1x9x256xi32, #tpu.memory_space<vmem>>, vector<1x1x256xi32>,
    %reduce_max3A_177 = arith.constant dense<0xFF800000> : vector<256xf32>
    %reduce_max3A_178 = vector.multi_reduction <maximumf>, %select_n3A_167, %reduce_max3A_177 [1] : vector<256x1024xf32> to vector<256xf32>
    %broadcast_in_dim3A_179 = vector.shape_cast %reduce_max3A_178 : vector<256xf32> to vector<256x1xf32>
    %eq3A_180 = vector.broadcast %broadcast_in_dim3A_179 : vector<256x1xf32> to vector<256x1024xf32>
    %eq3A_181 = arith.cmpf oeq, %select_n3A_167, %eq3A_180 : vector<256x1024xf32>
    %jit3A_182 = arith.constant 0.000000e+00 : f32
    %broadcast_in_dim3A_183 = vector.broadcast %jit3A_182 : f32 to vector<256x1024xf32>
    %select_n3A_184 = arith.select %eq3A_181, %convert_element_type3A, %broadcast_in_dim3A_183 : vector<256x1024xi1>, vector<256x1024xf32>
    %reduce_max3A_185 = arith.constant dense<0xFF800000> : vector<256xf32>
    %reduce_max3A_186 = vector.multi_reduction <maximumf>, %select_n3A_184, %reduce_max3A_185 [1] : vector<256x1024xf32> to vector<256xf32>
    %jit3A_187 = arith.constant -3.000000e+38 : f32
    %broadcast_in_dim3A_188 = vector.broadcast %jit3A_187 : f32 to vector<256x1024xf32>
    %select_n3A_189 = arith.select %eq3A_181, %broadcast_in_dim3A_188, %select_n3A_167 : vector<256x1024xi1>, vector<256x1024xf32>
    %add3A_190 = vector.broadcast %convert_element_type3A_70 : f32 to vector<256xf32>
    %add3A_191 = arith.addf %reduce_max3A_186, %add3A_190 : vector<256xf32>
    %convert_element_type3A_192 = arith.fptosi %add3A_191 : vector<256xf32> to vector<256xi32>
    %swap3A_193 = arith.constant 0 : index
    %swap3A_194 = arith.constant 5 : index
    %swap3A_195 = arith.constant 0 : index
    %swap3A_196 = vector.load %arg8[%swap3A_193, %swap3A_194, %swap3A_195] : memref<1x9x256xi32, #tpu.memory_space<vmem>>, vector<1x1x256xi32>
    %swap3A_197 = vector.shape_cast %swap3A_196 : vector<1x1x256xi32> to vector<256xi32>
    %swap3A_198 = vector.shape_cast %convert_element_type3A_192 : vector<256xi32> to vector<1x1x256xi32>
    tpu.vector_store %arg8[%swap3A_193, %swap3A_194, %swap3A_195], %swap3A_198 {strides = array<i32>} : memref<1x9x256xi32, #tpu.memory_space<vmem>>, vector<1x1x256xi32>,
    %reduce_max3A_199 = arith.constant dense<0xFF800000> : vector<256xf32>
    %reduce_max3A_200 = vector.multi_reduction <maximumf>, %select_n3A_189, %reduce_max3A_199 [1] : vector<256x1024xf32> to vector<256xf32>
    %broadcast_in_dim3A_201 = vector.shape_cast %reduce_max3A_200 : vector<256xf32> to vector<256x1xf32>
    %eq3A_202 = vector.broadcast %broadcast_in_dim3A_201 : vector<256x1xf32> to vector<256x1024xf32>
    %eq3A_203 = arith.cmpf oeq, %select_n3A_189, %eq3A_202 : vector<256x1024xf32>
    %jit3A_204 = arith.constant 0.000000e+00 : f32
    %broadcast_in_dim3A_205 = vector.broadcast %jit3A_204 : f32 to vector<256x1024xf32>
    %select_n3A_206 = arith.select %eq3A_203, %convert_element_type3A, %broadcast_in_dim3A_205 : vector<256x1024xi1>, vector<256x1024xf32>
    %reduce_max3A_207 = arith.constant dense<0xFF800000> : vector<256xf32>
    %reduce_max3A_208 = vector.multi_reduction <maximumf>, %select_n3A_206, %reduce_max3A_207 [1] : vector<256x1024xf32> to vector<256xf32>
    %jit3A_209 = arith.constant -3.000000e+38 : f32
    %broadcast_in_dim3A_210 = vector.broadcast %jit3A_209 : f32 to vector<256x1024xf32>
    %select_n3A_211 = arith.select %eq3A_203, %broadcast_in_dim3A_210, %select_n3A_189 : vector<256x1024xi1>, vector<256x1024xf32>
    %add3A_212 = vector.broadcast %convert_element_type3A_70 : f32 to vector<256xf32>
    %add3A_213 = arith.addf %reduce_max3A_208, %add3A_212 : vector<256xf32>
    %convert_element_type3A_214 = arith.fptosi %add3A_213 : vector<256xf32> to vector<256xi32>
    %swap3A_215 = arith.constant 0 : index
    %swap3A_216 = arith.constant 6 : index
    %swap3A_217 = arith.constant 0 : index
    %swap3A_218 = vector.load %arg8[%swap3A_215, %swap3A_216, %swap3A_217] : memref<1x9x256xi32, #tpu.memory_space<vmem>>, vector<1x1x256xi32>
    %swap3A_219 = vector.shape_cast %swap3A_218 : vector<1x1x256xi32> to vector<256xi32>
    %swap3A_220 = vector.shape_cast %convert_element_type3A_214 : vector<256xi32> to vector<1x1x256xi32>
    tpu.vector_store %arg8[%swap3A_215, %swap3A_216, %swap3A_217], %swap3A_220 {strides = array<i32>} : memref<1x9x256xi32, #tpu.memory_space<vmem>>, vector<1x1x256xi32>,
    %reduce_max3A_221 = arith.constant dense<0xFF800000> : vector<256xf32>
    %reduce_max3A_222 = vector.multi_reduction <maximumf>, %select_n3A_211, %reduce_max3A_221 [1] : vector<256x1024xf32> to vector<256xf32>
    %broadcast_in_dim3A_223 = vector.shape_cast %reduce_max3A_222 : vector<256xf32> to vector<256x1xf32>
    %eq3A_224 = vector.broadcast %broadcast_in_dim3A_223 : vector<256x1xf32> to vector<256x1024xf32>
    %eq3A_225 = arith.cmpf oeq, %select_n3A_211, %eq3A_224 : vector<256x1024xf32>
    %jit3A_226 = arith.constant 0.000000e+00 : f32
    %broadcast_in_dim3A_227 = vector.broadcast %jit3A_226 : f32 to vector<256x1024xf32>
    %select_n3A_228 = arith.select %eq3A_225, %convert_element_type3A, %broadcast_in_dim3A_227 : vector<256x1024xi1>, vector<256x1024xf32>
    %reduce_max3A_229 = arith.constant dense<0xFF800000> : vector<256xf32>
    %reduce_max3A_230 = vector.multi_reduction <maximumf>, %select_n3A_228, %reduce_max3A_229 [1] : vector<256x1024xf32> to vector<256xf32>
    %jit3A_231 = arith.constant -3.000000e+38 : f32
    %broadcast_in_dim3A_232 = vector.broadcast %jit3A_231 : f32 to vector<256x1024xf32>
    %select_n3A_233 = arith.select %eq3A_225, %broadcast_in_dim3A_232, %select_n3A_211 : vector<256x1024xi1>, vector<256x1024xf32>
    %add3A_234 = vector.broadcast %convert_element_type3A_70 : f32 to vector<256xf32>
    %add3A_235 = arith.addf %reduce_max3A_230, %add3A_234 : vector<256xf32>
    %convert_element_type3A_236 = arith.fptosi %add3A_235 : vector<256xf32> to vector<256xi32>
    %swap3A_237 = arith.constant 0 : index
    %swap3A_238 = arith.constant 7 : index
    %swap3A_239 = arith.constant 0 : index
    %swap3A_240 = vector.load %arg8[%swap3A_237, %swap3A_238, %swap3A_239] : memref<1x9x256xi32, #tpu.memory_space<vmem>>, vector<1x1x256xi32>
    %swap3A_241 = vector.shape_cast %swap3A_240 : vector<1x1x256xi32> to vector<256xi32>
    %swap3A_242 = vector.shape_cast %convert_element_type3A_236 : vector<256xi32> to vector<1x1x256xi32>
    tpu.vector_store %arg8[%swap3A_237, %swap3A_238, %swap3A_239], %swap3A_242 {strides = array<i32>} : memref<1x9x256xi32, #tpu.memory_space<vmem>>, vector<1x1x256xi32>,
    %reduce_max3A_243 = arith.constant dense<0xFF800000> : vector<256xf32>
    %reduce_max3A_244 = vector.multi_reduction <maximumf>, %select_n3A_233, %reduce_max3A_243 [1] : vector<256x1024xf32> to vector<256xf32>
    %broadcast_in_dim3A_245 = vector.shape_cast %reduce_max3A_244 : vector<256xf32> to vector<256x1xf32>
    %eq3A_246 = vector.broadcast %broadcast_in_dim3A_245 : vector<256x1xf32> to vector<256x1024xf32>
    %eq3A_247 = arith.cmpf oeq, %select_n3A_233, %eq3A_246 : vector<256x1024xf32>
    %jit3A_248 = arith.constant 0.000000e+00 : f32
    %broadcast_in_dim3A_249 = vector.broadcast %jit3A_248 : f32 to vector<256x1024xf32>
    %select_n3A_250 = arith.select %eq3A_247, %convert_element_type3A, %broadcast_in_dim3A_249 : vector<256x1024xi1>, vector<256x1024xf32>
    %reduce_max3A_251 = arith.constant dense<0xFF800000> : vector<256xf32>
    %reduce_max3A_252 = vector.multi_reduction <maximumf>, %select_n3A_250, %reduce_max3A_251 [1] : vector<256x1024xf32> to vector<256xf32>
    %add3A_253 = vector.broadcast %convert_element_type3A_70 : f32 to vector<256xf32>
    %add3A_254 = arith.addf %reduce_max3A_252, %add3A_253 : vector<256xf32>
    %convert_element_type3A_255 = arith.fptosi %add3A_254 : vector<256xf32> to vector<256xi32>
    %swap3A_256 = arith.constant 0 : index
    %swap3A_257 = arith.constant 8 : index
    %swap3A_258 = arith.constant 0 : index
    %swap3A_259 = vector.load %arg8[%swap3A_256, %swap3A_257, %swap3A_258] : memref<1x9x256xi32, #tpu.memory_space<vmem>>, vector<1x1x256xi32>
    %swap3A_260 = vector.shape_cast %swap3A_259 : vector<1x1x256xi32> to vector<256xi32>
    %swap3A_261 = vector.shape_cast %convert_element_type3A_255 : vector<256xi32> to vector<1x1x256xi32>
    tpu.vector_store %arg8[%swap3A_256, %swap3A_257, %swap3A_258], %swap3A_261 {strides = array<i32>} : memref<1x9x256xi32, #tpu.memory_space<vmem>>, vector<1x1x256xi32>,
    return
  }
  func.func @transform_0(%arg0: i32, %arg1: i32) -> (i32, i32, i32) {
    %c0_i32 = arith.constant 0 : i32
    %c0_i32_0 = arith.constant 0 : i32
    return %arg0, %arg1, %c0_i32 : i32, i32, i32
  }
  func.func @transform_1(%arg0: i32, %arg1: i32) -> (i32, i32, i32) {
    %c0_i32 = arith.constant 0 : i32
    %c0_i32_0 = arith.constant 0 : i32
    %c0_i32_1 = arith.constant 0 : i32
    return %arg0, %c0_i32, %c0_i32_0 : i32, i32, i32
  }
  func.func @transform_2(%arg0: i32, %arg1: i32) -> (i32, i32) {
    %c0_i32 = arith.constant 0 : i32
    %c0_i32_0 = arith.constant 0 : i32
    %c0_i32_1 = arith.constant 0 : i32
    return %c0_i32, %c0_i32_0 : i32, i32
  }
  func.func @transform_3(%arg0: i32, %arg1: i32) -> (i32, i32) {
    %c0_i32 = arith.constant 0 : i32
    %c0_i32_0 = arith.constant 0 : i32
    %c0_i32_1 = arith.constant 0 : i32
    return %c0_i32, %c0_i32_0 : i32, i32
  }
  func.func @transform_4(%arg0: i32, %arg1: i32) -> (i32, i32, i32) {
    %c0_i32 = arith.constant 0 : i32
    %c0_i32_0 = arith.constant 0 : i32
    return %arg0, %arg1, %c0_i32 : i32, i32, i32
  }
  func.func @transform_5(%arg0: i32, %arg1: i32) -> (i32, i32, i32) {
    %c0_i32 = arith.constant 0 : i32
    %c0_i32_0 = arith.constant 0 : i32
    return %arg0, %arg1, %c0_i32 : i32, i32, i32
  }
  func.func @transform_6(%arg0: i32, %arg1: i32) -> (i32, i32, i32) {
    %c0_i32 = arith.constant 0 : i32
    %c0_i32_0 = arith.constant 0 : i32
    return %arg0, %c0_i32, %arg1 : i32, i32, i32
  }
}

</mosaic_0001>

<sc_bundles>
// kernel: kernel.4.cloned.1.call-start
scs
__scs_entry_jumppad:
0x0: {  	(pc) =	sbr.rel $0x88, $3  }
0x1: {  	(tag) =	ssettag $0x0;
	lr =	simm.s32 $0x1  }
0x2: {  	[smem:$0x3F9E] =	sst lr;
	_ =	strace $0xD0000000  }
0x3: {  	_ = 	snop  }
0x4: {  	_ = 	snop  }
0x5: {  	_ = 	snop  }
0x6: {  	_ = 	snop  }
0x7: {  	_ = 	snop  }
__scs_overlays_trampoline_lowered:
0x8: {  	[smem:$0x3FAD] =	sst s0  }
0x9: {  	[smem:$0x3FAE] =	sst s1  }
0xa: {  	[smem:$0x3FAF] =	sst s2  }
0xb: {  	[smem:$0x3FB0] =	sst s3  }
0xc: {  	[smem:$0x3FB1] =	sst s4  }
0xd: {  	[smem:$0x3FB2] =	sst s5  }
0xe: {  	[smem:$0x3FB3] =	sst s6  }
0xf: {  	[smem:$0x3FB4] =	sst s7  }
0x10: {  	[smem:$0x3FB5] =	sst s8  }
0x11: {  	[smem:$0x3FB6] =	sst s9;
	s0 =	simm.s32 @!p0 $0x0  }
0x12: {  	s1 =	sld [smem:$0x3F9C];
	s0 =	simm.s32 @p0 $0x1  }
0x13: {  	[smem:$0x3FB7] =	sst s0;
	s0 =	simm.s32 @!p1 $0x0  }
0x14: {  	s2 =	sld [smem:$0x3F9B];
	s0 =	simm.s32 @p1 $0x1  }
0x15: {  	[smem:$0x3FB8] =	sst s0;
	s0 =	simm.s32 @!p2 $0x0  }
0x16: {  	s3 =	sld [smem:$0x3FDB];
	s0 =	simm.s32 @p2 $0x1  }
0x17: {  	s4 =	simm.s32 $0x1BF5;
	[smem:$0x3FBA] =	sst s0  }
0x18: {  	s0 =	sld [smem:$0x3F9D];
	_ =	swait.ge [sflag:s4], $0x0  }
0x19: {  	s7 =	sld [smem:$0x3F9E]  }
0x1a: {  	s8 =	sadd.s32 $0xFFFFE003, lr  }
0x1b: {  	s9 =	sadd.s32 $0xFFFFFEF7, lr;
	s5 =	simm.s32 $0xFFFFFFFF;
	p2 =	slt.u32 s8, $0xFFFFF086  }
0x1c: {  	p1 =	slt.u32 s9, $0xF7A;
	s5 =	simm.s32 @!p2 $0x0  }
0x1d: {  	s5 =	simm.s32 @p1 $0x1;
	p0 =	seq.s32 s7, s2  }
0x1e: {  	s7 =	smul.u32 @!p0 $0xF7A, s2;
	p2 =	seq.s32 @!p0 s5, $0x0  }
0x1f: {  	s9 =	smul.u32 $0xF7A, s1;
	s8 =	simm.s32 @!p0 $0x1BF5;
	p2 =	por !p2, p0  }
0x20: {  	[sflag:s8] =	ssyncset.s32 @!p0 $0xFFFFF086;
	s6 =	sadd.s32 @!p0 s3, s7;
	s7 =	simm.s32 @!p0 $0x108  }
0x21: {  	s3 =	sadd.s32 s3, s9;
	s6 =	sadd.s32 @!p0 $0x88, s6;
	s7 =	simm.s32 @p2 $0x1082  }
0x22: {  	[simem:s7], [sflag:s8] =	dma.local @!p0 [hbm:s6], $0xF7A  }
0x23: {  	s9 =	sor.u32 $0xD0000000, s2;
	s6 =	simm.s32 $0x108;
	_ =	swait.ge @!p0 [sflag:s8], $0x0  }
0x24: {  	s3 =	sadd.s32 $0x88, s3;
	s6 =	simm.s32 @!p1 $0x1082;
	[sflag:s4] =	ssyncset.s32 $0xFFFFF086  }
0x25: {  	[simem:s6], [sflag:s4] =	dma.local [hbm:s3], $0xF7A  }
0x26: {  	[smem:$0x3F9E] =	sst s1;
	(tag) =	ssettag s2;
	_ =	strace s9  }
0x27: {  	s1 =	sld [smem:$0x3FAE]  }
0x28: {  	s2 =	sld [smem:$0x3FAF]  }
0x29: {  	s4 =	sld [smem:$0x3FB1]  }
0x2a: {  	p0 =	seq.s32 s5, $0x0;
	s5 =	sld [smem:$0x3FB2]  }
0x2b: {  	s6 =	sld [smem:$0x3FB3]  }
0x2c: {  	s7 =	sld [smem:$0x3FB4]  }
0x2d: {  	s3 =	simm.s32 $0x108;
	s8 =	sld [smem:$0x3FB5]  }
0x2e: {  	s3 =	simm.s32 @!p0 $0x1082;
	s9 =	sld [smem:$0x3FB6]  }
0x2f: {  	lr =	sadd.s32 s0, s3;
	s0 =	sld [smem:$0x3FAD]  }
0x30: {  	s3 =	sld [smem:$0x3FB0]  }
0x31: {  	[smem:$0x3FB9] =	sst s10  }
0x32: {  	s10 =	sld [smem:$0x3FB7];
	_ =	sdelay $0x3  }
0x33: {  	p0 =	seq.s32 s10, $0x1;
	s10 =	sld [smem:$0x3FB9];
	_ =	sdelay $0x3  }
0x34: {  	[smem:$0x3FB9] =	sst s10  }
0x35: {  	s10 =	sld [smem:$0x3FB8];
	_ =	sdelay $0x3  }
0x36: {  	p1 =	seq.s32 s10, $0x1;
	s10 =	sld [smem:$0x3FB9];
	_ =	sdelay $0x3  }
0x37: {  	[smem:$0x3FB9] =	sst s10  }
0x38: {  	s10 =	sld [smem:$0x3FBA]  }
0x39: {  	_ = 	snop;
	(pc) =	sbr.ind lr, $3  }
0x3a: {  	_ = 	snop  }
0x3b: {  	_ = 	snop  }
0x3c: {  	p2 =	seq.s32 s10, $0x1;
	s10 =	sld [smem:$0x3FB9]  }
0x3d: {  	_ =	shalt  }
0x3e: {  	_ =	shalt  }
0x3f: {  	_ =	shalt  }
0x40: {  	_ =	shalt  }
0x41: {  	_ =	shalt  }
0x42: {  	_ =	shalt  }
0x43: {  	_ =	shalt  }
0x44: {  	_ =	shalt  }
0x45: {  	_ =	shalt  }
0x46: {  	_ =	shalt  }
0x47: {  	_ =	shalt  }
0x48: {  	_ =	shalt  }
0x49: {  	_ =	shalt  }
0x4a: {  	_ =	shalt  }
0x4b: {  	_ =	shalt  }
0x4c: {  	_ =	shalt  }
0x4d: {  	_ =	shalt  }
0x4e: {  	_ =	shalt  }
0x4f: {  	_ =	shalt  }
0x50: {  	_ =	shalt  }
0x51: {  	_ =	shalt  }
0x52: {  	_ =	shalt  }
0x53: {  	_ =	shalt  }
0x54: {  	_ =	shalt  }
0x55: {  	_ =	shalt  }
0x56: {  	_ =	shalt  }
0x57: {  	_ =	shalt  }
0x58: {  	_ =	shalt  }
0x59: {  	_ =	shalt  }
0x5a: {  	_ =	shalt  }
0x5b: {  	_ =	shalt  }
0x5c: {  	_ =	shalt  }
0x5d: {  	_ =	shalt  }
0x5e: {  	_ =	shalt  }
0x5f: {  	_ =	shalt  }
0x60: {  	_ =	shalt  }
0x61: {  	_ =	shalt  }
0x62: {  	_ =	shalt  }
0x63: {  	_ =	shalt  }
0x64: {  	_ =	shalt  }
0x65: {  	_ =	shalt  }
0x66: {  	_ =	shalt  }
0x67: {  	_ =	shalt  }
0x68: {  	_ =	shalt  }
0x69: {  	_ =	shalt  }
0x6a: {  	_ =	shalt  }
0x6b: {  	_ =	shalt  }
0x6c: {  	_ =	shalt  }
0x6d: {  	_ =	shalt  }
0x6e: {  	_ =	shalt  }
0x6f: {  	_ =	shalt  }
0x70: {  	_ =	shalt  }
0x71: {  	_ =	shalt  }
0x72: {  	_ =	shalt  }
0x73: {  	_ =	shalt  }
0x74: {  	_ =	shalt  }
0x75: {  	_ =	shalt  }
0x76: {  	_ =	shalt  }
0x77: {  	_ =	shalt  }
0x78: {  	_ =	shalt  }
0x79: {  	_ =	shalt  }
0x7a: {  	_ =	shalt  }
0x7b: {  	_ =	shalt  }
0x7c: {  	_ =	shalt  }
0x7d: {  	_ =	shalt  }
0x7e: {  	_ =	shalt  }
0x7f: {  	_ =	shalt  }
0x80: {  	_ =	shalt  }
0x81: {  	_ =	shalt  }
0x82: {  	_ =	shalt  }
0x83: {  	_ =	shalt  }
0x84: {  	_ =	shalt  }
0x85: {  	_ =	shalt  }
0x86: {  	_ =	shalt  }
0x87: {  	_ =	shalt  }
.Lfunc_end0:
.L_simem_size_0:
called_computation_lowered:
.L_overlay_start_0:
0x88: {  	s2 =	sld [smem:$0x3FD9]  }
0x89: {  	s3 =	sld [smem:$0x3FFE];
	_ =	sdelay $0x1  }
0x8a: {  	s1 =	srdreg.scid  }
0x8b: {  	s0 =	sand.u32 $0x1, s1  }
0x8c: {  	s17 =	sshll.u32 s0, $0xA;
	s2 =	sadd.s32 s3, s2  }
0x8d: {  	s2 =	sadd.s32 s2, s17  }
0x8e: {  	[smem:$0x3FC5] =	sst s2  }
0x8f: {  	_ = 	snop  }
0x90: {  	s2 =	sld [smem:$0x3FD0];
	(tm) =	ssettm $0x1  }
0x91: {  	s18 =	sld [smem:$0x3FFB];
	_ =	sdelay $0x3  }
0x92: {  	_ =	strace s18  }
0x93: {  	s3 =	sld [smem:$0x3FFC];
	_ =	sdelay $0x3  }
0x94: {  	_ =	strace s3  }
0x95: {  	s3 =	sld [smem:$0x3FFD];
	_ =	sdelay $0x3  }
0x96: {  	_ =	strace s3  }
0x97: {  	_ =	strace $0x8FFFFFFF  }
0x98: {  	s19 =	sld [smem:$0x3FDB];
	_ =	sdelay $0x1  }
0x99: {  	s4 =	simm.s32 $_scs_section_size  }
0x9a: {  	s5 =	simm.s32 $_size__tile_overlayer_lowered;
	s6 =	simm.s32 $_tile_overlayer_lowered  }
0x9b: {  	s22 =	simm.s32 $0x1BFF;
	s21 =	sshll.u32 s6, $0x1;
	s3 =	sadd.s32 s4, s19  }
0x9c: {  	s7 =	simm.s32 $0x0;
	s20 =	sshll.u32 s5, $0x1;
	s5 =	sadd.s32 s21, s3  }
0x9d: {  	[timem:s7], [sflag:s22] =	dma.local [hbm:s5], s20  }
0x9e: {  	_ =	swait.ge [sflag:s22], s20  }
0x9f: {  	s4 =	ssub.s32 $0x0, s20;
	[sflag:s22] =	ssyncset.done $0x0  }
0xa0: {  	[sflag:s22] =	ssyncadd.s32 s4;
	_ =	sdelay $0x1  }
0xa1: {  	s23 =	simm.s32 $0x1B8B  }
0xa2: {  	_ =	swait.ge [sflag:s23], $0x1  }
0xa3: {  	[sflag:s23] =	ssyncset.done $0x0  }
0xa4: {  	s25 =	simm.s32 $0x1B8E;
	s24 =	sld [smem:$0x3FFE];
	[sflag:s23] =	ssyncadd.s32 $0xFFFFFFFF  }
0xa5: {  	s26 =	simm.s32 $execute0_lowered;
	[smem:$0x3FD2] =	sst s25  }
0xa6: {  	s5 =	sshll.u32 s26, $0x1;
	_ =	strace $0x80000046;
	[dreg:$0x1] =	wrdreg $0xFFFFFFFF  }
0xa7: {  	s28 =	simm.s32 $_size_execute0_lowered;
	s3 =	sadd.s32 s3, s5;
	[dreg:$0x0] =	wrdreg $0x0  }
0xa8: {  	s5 =	sshll.u32 s28, $0x1;
	[dreg:$0x2] =	wrdreg s3  }
0xa9: {  	[dreg:$0x3] =	wrdreg s5  }
0xaa: {  	[dreg:$0x4] =	wrdreg $0xC0  }
0xab: {  	_ =	task [dreg:s7], $0x5FFFF  }
0xac: {  	[dreg:$0x1] =	wrdreg $0xFFFFFFFF  }
0xad: {  	[dreg:$0x0] =	wrdreg $0x60  }
0xae: {  	[dreg:$0x2] =	wrdreg s2  }
0xaf: {  	[dreg:$0x3] =	wrdreg s24  }
0xb0: {  	[dreg:$0x4] =	wrdreg $0x9  }
0xb1: {  	_ =	task.clear_ibuf [dreg:s7], $0x5FFFF;
	_ =	strace $0x90000046  }
0xb2: {  	s29 =	simm.s32 $0x9;
	_ =	strace $0x80000048  }
0xb3: {  	_ =	swait.ge [sflag:s29], $0x1  }
0xb4: {  	[sflag:s29] =	ssyncadd.s32 $0xFFFFFFFF  }
0xb5: {  	_ =	strace $0x90000048  }
0xb6: {  	_ =	sfence  }
0xb7: {  	s30 =	sld [smem:$0x0];
	_ =	sdelay $0x2  }
0xb8: {  	s31 =	sshll.u32 s1, $0xD;
	s1 =	sshrl.u32 s1, $0x2  }
0xb9: {  	s3 =	sand.u32 $0x4000, s31;
	s1 =	sadd.s32 s1, s30  }
0xba: {  	s0 =	sor.u32 s3, s0;
	s1 =	sshll.u32 s1, $0x11  }
0xbb: {  	s0 =	sor.u32 s1, s0  }
0xbc: {  	s0 =	sadd.s32 $0x8F2B, s0  }
0xbd: {  	[sflag:s0] =	ssyncadd.remote.s32 $0x1  }
0xbe: {  	_ =	sfence.sel $0xFFFF  }
0xbf: {  	[dreg:$0x0] =	wrdreg $0xFFFFFFFF;
	(pc) =	sbr.abs _section_cstart, $3  }
0xc0: {  	[dreg:$0x1] =	wrdreg $0xFFFFFFFF  }
0xc1: {  	_ =	task.clear_ibuf [dreg:s7], $0x2FFFF;
	_ =	strace $0x9FFFFFFF  }
0xc2: {  	(tm) =	ssettm $0x7FFFFFFF  }
0xc3: {  	_ =	shalt  }
tec
execute0_lowered:
.L_overlay_start_1:
0x0: {  	(tag) =	ssettag $0x1  }
0x1: {  	s1 =	rddreg [dreg:$0x0]  }
0x2: {  	s5 =	rddreg [dreg:$0x1]  }
0x3: {  	s2 =	srdreg.scid;
	s0 =	rddreg [dreg:$0x2]  }
0x4: {  	s3 =	simm.s32 $0x0;
	s11 =	simm.s32 $0xC800;
	s12 =	simm.s32 $0x80  }
0x5: {  	s13 =	simm.s32 $0x800;
	s14 =	simm.s32 $0x4800;
	s15 =	simm.s32 $0x1  }
0x6: {  	s16 =	simm.s32 $0x100;
	s17 =	simm.s32 $0x2;
	s18 =	simm.s32 $0x180  }
0x7: {  	s19 =	simm.s32 $0x200;
	s20 =	simm.s32 $0x280;
	s21 =	simm.s32 $0x300  }
0x8: {  	s22 =	simm.s32 $0x380;
	s23 =	simm.s32 $0x400;
	s24 =	simm.s32 $0xC880  }
0x9: {  	s25 =	simm.s32 $0x0;
	s4 =	sand.u32 $0x1, s2;
	[smem:$0x7FF] =	sst s3  }
0xa: {  	s2 =	stileid.u32;
	s6 =	sshll.u32 s4, $0x4;
	_ =	strace $0x80000047  }
0xb: {  	s8 =	ssub.s32 $0x2, s4;
	s4 =	sadd.s32 $0xE00, s5;
	s6 =	sor.u32 s2, s6  }
0xc: {  	s9 =	sshrl.u32 s8, $0x1;
	s7 =	sshll.u32 s6, $0x8;
	s6 =	sshll.u32 s6, $0xB  }
0xd: {  	s8 =	ssub.s32 s8, s9;
	s9 =	simm.s32 $0x3;
	s7 =	sadd.s32 s7, s5  }
0xe: {  	s10 =	sadd.s32 s6, s5;
	s6 =	sadd.s32 s1, s6;
	s8 =	smax.u32 s8, $0x1  }
0xf: {  	s5 =	sadd.s32 $0x1000, s7;
	s7 =	sadd.s32 $0x3000, s10;
	s10 =	simm.s32 $0x8800  }
.LBB2_1:
0x10: {  	[tilespmem:s3], [sflag:$0x3] =	stream.linear.gather [hbm4b:s5+s3], $0x480, $0x38;
	[tilespmem:$0x10880] =	vst v63  }
0x11: {  	_ =	swait.ge [sflag:s9], $0x480  }
0x12: {  	[sflag:s9] =	ssyncset.done $0x0  }
0x13: {  	[sflag:s9] =	ssyncadd.s32 $0xFFFFFB80  }
0x14: {  	[tilespmem:s10], [sflag:$0x3] =	stream.linear.gather [hbm4b:s6+s3], $0x4000, $0x38;
	[tilespmem:$0x10880] =	vst v63  }
0x15: {  	_ =	swait.ge [sflag:s9], $0x4000  }
0x16: {  	[sflag:s9] =	ssyncset.done $0x0  }
0x17: {  	[sflag:s9] =	ssyncadd.s32 $0xFFFFC000  }
0x18: {  	[tilespmem:s11], [sflag:$0x3] =	stream.linear.gather [hbm4b:s4+s3], $0x80, $0x38;
	[tilespmem:$0x10880] =	vst v63  }
0x19: {  	_ =	swait.ge [sflag:s9], $0x80  }
0x1a: {  	[sflag:s9] =	ssyncset.done $0x0  }
0x1b: {  	s26 =	simm.s32 $0x0;
	[sflag:s9] =	ssyncadd.s32 $0xFFFFFF80  }
0x1c: {  	s28 =	simm.s32 $0x200;
	v0 =	vld [tilespmem:s26+$0x8800]  }
.LBB2_2:
0x1d: {  	p0 =	sne.s32 s28, $0xFE00;
	v1 =	vld [tilespmem:$0xC800];
	_ =	sdelay $0x4  }
0x1e: {  	v0 =	vsub.f32 v0, v1;
	_ =	sdelay $0x1  }
0x1f: {  	[tilespmem:s26+$0x8800] =	vst v0;
	v0 =	vld [tilespmem:s26+$0x8810]  }
0x20: {  	v1 =	vld [tilespmem:$0xC810];
	_ =	sdelay $0x4  }
0x21: {  	v0 =	vsub.f32 v0, v1;
	_ =	sdelay $0x1  }
0x22: {  	[tilespmem:s26+$0x8810] =	vst v0;
	v0 =	vld [tilespmem:s26+$0x8820]  }
0x23: {  	v1 =	vld [tilespmem:$0xC820];
	_ =	sdelay $0x2  }
.Ltmp0:
0x24: {  	(pc) =	sbr.rel @p0 .LBB2_2-.Ltmp0, $4  }
0x25: {  	_ = 	snop  }
0x26: {  	v1 =	vsub.f32 v0, v1  }
0x27: {  	s29 =	sshra.s32 s28, $0x2  }
0x28: {  	s28 =	sadd.s32 $0x200, s28;
	v0 =	vld [tilespmem:s29+$0x8800];
	[tilespmem:s26+$0x8820] =	vst v1;
	s26 =	smov.u32 s29  }
0x29: {  	v1 =	vld [tilespmem:$0xC800];
	_ =	sdelay $0x4  }
0x2a: {  	v0 =	vsub.f32 v0, v1;
	_ =	sdelay $0x1  }
0x2b: {  	[tilespmem:s26+$0x8800] =	vst v0;
	v0 =	vld [tilespmem:s26+$0x8810]  }
0x2c: {  	v1 =	vld [tilespmem:$0xC810];
	_ =	sdelay $0x4  }
0x2d: {  	v0 =	vsub.f32 v0, v1;
	_ =	sdelay $0x1  }
0x2e: {  	[tilespmem:s26+$0x8810] =	vst v0;
	v0 =	vld [tilespmem:s26+$0x8820]  }
0x2f: {  	v1 =	vld [tilespmem:$0xC820];
	_ =	sdelay $0x4  }
0x30: {  	v0 =	vsub.f32 v0, v1;
	_ =	sdelay $0x1  }
0x31: {  	s31 =	simm.s32 $0x0;
	[tilespmem:s26+$0x8820] =	vst v0  }
0x32: {  	[tilespmem:s13], [sflag:$0x1] =	stream.indirect.gather [hbm4b:s1+s12], $0x80, s31, s12, $0xb8;
	[tilespmem:$0x10880] =	vst v63  }
0x33: {  	_ = 	snop  }
0x34: {  	[tilespmem:s14], [sflag:$0x2] =	stream.indirect.gather [hbm4b:s1+s12], $0x80, s12, s12, $0xb8;
	[tilespmem:$0x10880] =	vst v63  }
0x35: {  	_ =	swait.ge [sflag:s15], $0x4000  }
0x36: {  	[sflag:s15] =	ssyncset.done $0x0  }
0x37: {  	s28 =	simm.s32 $0x0;
	[sflag:s15] =	ssyncadd.s32 $0xFFFFC000  }
0x38: {  	v1 =	vld [tilespmem:s28+$0x820]  }
0x39: {  	v2 =	vld [tilespmem:s28+$0x8820]  }
0x3a: {  	v4 =	vld [tilespmem:s28+$0x800]  }
0x3b: {  	v5 =	vld [tilespmem:s28+$0x8800]  }
0x3c: {  	v7 =	vld [tilespmem:s28+$0x810]  }
0x3d: {  	s26 =	simm.s32 $0x80;
	v8 =	vld [tilespmem:s28+$0x8810]  }
0x3e: {  	v0 =	vld [tilespmem:s26+$0x820];
	v2 =	vsub.f32 v1, v2  }
0x3f: {  	v3 =	vld [tilespmem:s26+$0x8820]  }
0x40: {  	v1 =	vld [tilespmem:s26+$0x800];
	v5 =	vsub.f32 v4, v5;
	v2 =	vmax.f32 v2, $0.0e+00  }
0x41: {  	v4 =	vld [tilespmem:s26+$0x8800];
	[tilespmem:s28+$0xC8A0] =	vst v2  }
0x42: {  	s29 =	simm.s32 $0x400;
	v6 =	vmax.f32 v5, $0.0e+00;
	v5 =	vsub.f32 v7, v8;
	v2 =	vld [tilespmem:s26+$0x810]  }
.LBB2_4:
0x43: {  	s30 =	sshra.s32 s29, $0x2;
	v7 =	vld [tilespmem:s26+$0x8810];
	[tilespmem:s28+$0xC880] =	vst v6;
	p0 =	sne.s32 s29, $0xFE00  }
.Ltmp1:
0x44: {  	s29 =	sadd.s32 $0x200, s29;
	v6 =	vsub.f32 v0, v3;
	v0 =	vld [tilespmem:s30+$0x820];
	v5 =	vmax.f32 v5, $0.0e+00;
	(pc) =	sbr.rel @p0 .LBB2_4-.Ltmp1, $4  }
0x45: {  	v3 =	vld [tilespmem:s30+$0x8820];
	[tilespmem:s28+$0xC890] =	vst v5;
	s28 =	smov.u32 s26;
	s26 =	smov.u32 s30  }
0x46: {  	v5 =	vsub.f32 v1, v4;
	v1 =	vld [tilespmem:s26+$0x800];
	v6 =	vmax.f32 v6, $0.0e+00  }
0x47: {  	v4 =	vld [tilespmem:s26+$0x8800];
	[tilespmem:s28+$0xC8A0] =	vst v6  }
0x48: {  	v6 =	vmax.f32 v5, $0.0e+00;
	v5 =	vsub.f32 v2, v7;
	v2 =	vld [tilespmem:s26+$0x810]  }
0x49: {  	v7 =	vld [tilespmem:s26+$0x8810];
	_ =	sdelay $0x2  }
0x4a: {  	v0 =	vsub.f32 v0, v3  }
0x4b: {  	[tilespmem:s28+$0xC880] =	vst v6;
	v3 =	vmax.f32 v5, $0.0e+00;
	v1 =	vsub.f32 v1, v4  }
0x4c: {  	[tilespmem:s28+$0xC890] =	vst v3;
	v0 =	vmax.f32 v0, $0.0e+00;
	v2 =	vsub.f32 v2, v7  }
0x4d: {  	[tilespmem:s26+$0xC8A0] =	vst v0;
	v0 =	vmax.f32 v1, $0.0e+00  }
0x4e: {  	[tilespmem:s26+$0xC880] =	vst v0;
	v0 =	vmax.f32 v2, $0.0e+00  }
0x4f: {  	[tilespmem:s26+$0xC890] =	vst v0  }
0x50: {  	[tilespmem:s13], [sflag:$0x1] =	stream.indirect.gather [hbm4b:s1+s12], $0x80, s16, s12, $0xb8;
	[tilespmem:$0x10880] =	vst v63  }
0x51: {  	_ =	swait.ge [sflag:s17], $0x4000  }
0x52: {  	[sflag:s17] =	ssyncset.done $0x0  }
0x53: {  	s28 =	simm.s32 $0x0;
	[sflag:s17] =	ssyncadd.s32 $0xFFFFC000  }
0x54: {  	v0 =	vld [tilespmem:s28+$0x4800]  }
0x55: {  	v1 =	vld [tilespmem:s28+$0x8800]  }
0x56: {  	v2 =	vld [tilespmem:s28+$0x4810]  }
0x57: {  	v3 =	vld [tilespmem:s28+$0x8810]  }
0x58: {  	v4 =	vld [tilespmem:s28+$0x4820]  }
0x59: {  	v5 =	vld [tilespmem:s28+$0x8820]  }
0x5a: {  	v6 =	vld [tilespmem:s28+$0xC880]  }
0x5b: {  	v7 =	vld [tilespmem:s28+$0xC890]  }
0x5c: {  	s26 =	simm.s32 $0x80;
	v8 =	vld [tilespmem:s28+$0xC8A0];
	v9 =	vsub.f32 v0, v1  }
0x5d: {  	v0 =	vld [tilespmem:s26+$0x4800];
	v10 =	vsub.f32 v2, v3  }
0x5e: {  	v1 =	vld [tilespmem:s26+$0x8800];
	v4 =	vsub.f32 v4, v5;
	v3 =	vmax.f32 v9, $0.0e+00  }
0x5f: {  	v2 =	vld [tilespmem:s26+$0x4810];
	v5 =	vmax.f32 v10, $0.0e+00;
	v6 =	vadd.f32 v3, v6  }
0x60: {  	v63 =	vmax.f32 v4, $0.0e+00;
	v4 =	vld [tilespmem:s26+$0x4820];
	v5 =	vadd.f32 v5, v7  }
0x61: {  	s29 =	simm.s32 $0x400;
	v3 =	vld [tilespmem:s26+$0x8810];
	[tilespmem:s28+$0xC880] =	vst v6;
	v6 =	vadd.f32 v63, v8  }
.LBB2_6:
0x62: {  	p0 =	sne.s32 s29, $0xFE00;
	v7 =	vld [tilespmem:s26+$0x8820];
	[tilespmem:s28+$0xC890] =	vst v5  }
0x63: {  	v5 =	vld [tilespmem:s26+$0xC880];
	[tilespmem:s28+$0xC8A0] =	vst v6;
	s28 =	smov.u32 s26  }
0x64: {  	v6 =	vld [tilespmem:s28+$0xC890]  }
0x65: {  	s26 =	sshra.s32 s29, $0x2;
	v8 =	vsub.f32 v0, v1;
	v9 =	vld [tilespmem:s28+$0xC8A0]  }
.Ltmp2:
0x66: {  	v3 =	vsub.f32 v2, v3;
	v0 =	vld [tilespmem:s26+$0x4800];
	(pc) =	sbr.rel @p0 .LBB2_6-.Ltmp2, $4  }
0x67: {  	v8 =	vmax.f32 v8, $0.0e+00;
	v1 =	vld [tilespmem:s26+$0x8800];
	v4 =	vsub.f32 v4, v7  }
0x68: {  	v2 =	vld [tilespmem:s26+$0x4810];
	v7 =	vadd.f32 v8, v5;
	v5 =	vmax.f32 v3, $0.0e+00  }
0x69: {  	v3 =	vld [tilespmem:s26+$0x8810];
	v5 =	vadd.f32 v5, v6;
	v6 =	vmax.f32 v4, $0.0e+00  }
0x6a: {  	s29 =	sadd.s32 $0x200, s29;
	v4 =	vld [tilespmem:s26+$0x4820];
	[tilespmem:s28+$0xC880] =	vst v7;
	v6 =	vadd.f32 v6, v9  }
0x6b: {  	v7 =	vld [tilespmem:s26+$0x8820];
	[tilespmem:s28+$0xC890] =	vst v5  }
0x6c: {  	v5 =	vld [tilespmem:s26+$0xC880];
	[tilespmem:s28+$0xC8A0] =	vst v6  }
0x6d: {  	v6 =	vld [tilespmem:s26+$0xC890]  }
0x6e: {  	v0 =	vsub.f32 v0, v1;
	v1 =	vld [tilespmem:s26+$0xC8A0]  }
0x6f: {  	v2 =	vsub.f32 v2, v3  }
0x70: {  	v0 =	vmax.f32 v0, $0.0e+00;
	v3 =	vsub.f32 v4, v7  }
0x71: {  	v2 =	vmax.f32 v2, $0.0e+00;
	v0 =	vadd.f32 v0, v5  }
0x72: {  	v2 =	vadd.f32 v2, v6;
	v3 =	vmax.f32 v3, $0.0e+00  }
0x73: {  	[tilespmem:s26+$0xC880] =	vst v0;
	v0 =	vadd.f32 v3, v1  }
0x74: {  	[tilespmem:s26+$0xC890] =	vst v2  }
0x75: {  	[tilespmem:s26+$0xC8A0] =	vst v0  }
0x76: {  	[tilespmem:s14], [sflag:$0x2] =	stream.indirect.gather [hbm4b:s1+s12], $0x80, s18, s12, $0xb8;
	[tilespmem:$0x10880] =	vst v63  }
0x77: {  	_ =	swait.ge [sflag:s15], $0x4000  }
0x78: {  	[sflag:s15] =	ssyncset.done $0x0  }
0x79: {  	s28 =	simm.s32 $0x0;
	[sflag:s15] =	ssyncadd.s32 $0xFFFFC000  }
0x7a: {  	v0 =	vld [tilespmem:s28+$0x800]  }
0x7b: {  	v1 =	vld [tilespmem:s28+$0x8800]  }
0x7c: {  	v2 =	vld [tilespmem:s28+$0x810]  }
0x7d: {  	v3 =	vld [tilespmem:s28+$0x8810]  }
0x7e: {  	v4 =	vld [tilespmem:s28+$0x820]  }
0x7f: {  	v5 =	vld [tilespmem:s28+$0x8820]  }
0x80: {  	v6 =	vld [tilespmem:s28+$0xC880]  }
0x81: {  	v7 =	vld [tilespmem:s28+$0xC890]  }
0x82: {  	s26 =	simm.s32 $0x80;
	v8 =	vld [tilespmem:s28+$0xC8A0];
	v9 =	vsub.f32 v0, v1  }
0x83: {  	v0 =	vld [tilespmem:s26+$0x800];
	v10 =	vsub.f32 v2, v3  }
0x84: {  	v1 =	vld [tilespmem:s26+$0x8800];
	v4 =	vsub.f32 v4, v5;
	v3 =	vmax.f32 v9, $0.0e+00  }
0x85: {  	v2 =	vld [tilespmem:s26+$0x810];
	v5 =	vmax.f32 v10, $0.0e+00;
	v6 =	vadd.f32 v3, v6  }
0x86: {  	v63 =	vmax.f32 v4, $0.0e+00;
	v4 =	vld [tilespmem:s26+$0x820];
	v5 =	vadd.f32 v5, v7  }
0x87: {  	s29 =	simm.s32 $0x400;
	v3 =	vld [tilespmem:s26+$0x8810];
	[tilespmem:s28+$0xC880] =	vst v6;
	v6 =	vadd.f32 v63, v8  }
.LBB2_8:
0x88: {  	p0 =	sne.s32 s29, $0xFE00;
	v7 =	vld [tilespmem:s26+$0x8820];
	[tilespmem:s28+$0xC890] =	vst v5  }
0x89: {  	v5 =	vld [tilespmem:s26+$0xC880];
	[tilespmem:s28+$0xC8A0] =	vst v6;
	s28 =	smov.u32 s26  }
0x8a: {  	v6 =	vld [tilespmem:s28+$0xC890]  }
0x8b: {  	s26 =	sshra.s32 s29, $0x2;
	v8 =	vsub.f32 v0, v1;
	v9 =	vld [tilespmem:s28+$0xC8A0]  }
.Ltmp3:
0x8c: {  	v3 =	vsub.f32 v2, v3;
	v0 =	vld [tilespmem:s26+$0x800];
	(pc) =	sbr.rel @p0 .LBB2_8-.Ltmp3, $4  }
0x8d: {  	v8 =	vmax.f32 v8, $0.0e+00;
	v1 =	vld [tilespmem:s26+$0x8800];
	v4 =	vsub.f32 v4, v7  }
0x8e: {  	v2 =	vld [tilespmem:s26+$0x810];
	v7 =	vadd.f32 v8, v5;
	v5 =	vmax.f32 v3, $0.0e+00  }
0x8f: {  	v3 =	vld [tilespmem:s26+$0x8810];
	v5 =	vadd.f32 v5, v6;
	v6 =	vmax.f32 v4, $0.0e+00  }
0x90: {  	s29 =	sadd.s32 $0x200, s29;
	v4 =	vld [tilespmem:s26+$0x820];
	[tilespmem:s28+$0xC880] =	vst v7;
	v6 =	vadd.f32 v6, v9  }
0x91: {  	v7 =	vld [tilespmem:s26+$0x8820];
	[tilespmem:s28+$0xC890] =	vst v5  }
0x92: {  	v5 =	vld [tilespmem:s26+$0xC880];
	[tilespmem:s28+$0xC8A0] =	vst v6  }
0x93: {  	v6 =	vld [tilespmem:s26+$0xC890]  }
0x94: {  	v0 =	vsub.f32 v0, v1;
	v1 =	vld [tilespmem:s26+$0xC8A0]  }
0x95: {  	v2 =	vsub.f32 v2, v3  }
0x96: {  	v0 =	vmax.f32 v0, $0.0e+00;
	v3 =	vsub.f32 v4, v7  }
0x97: {  	v2 =	vmax.f32 v2, $0.0e+00;
	v0 =	vadd.f32 v0, v5  }
0x98: {  	v2 =	vadd.f32 v2, v6;
	v3 =	vmax.f32 v3, $0.0e+00  }
0x99: {  	[tilespmem:s26+$0xC880] =	vst v0;
	v0 =	vadd.f32 v3, v1  }
0x9a: {  	[tilespmem:s26+$0xC890] =	vst v2  }
0x9b: {  	[tilespmem:s26+$0xC8A0] =	vst v0  }
0x9c: {  	[tilespmem:s13], [sflag:$0x1] =	stream.indirect.gather [hbm4b:s1+s12], $0x80, s19, s12, $0xb8;
	[tilespmem:$0x10880] =	vst v63  }
0x9d: {  	_ =	swait.ge [sflag:s17], $0x4000  }
0x9e: {  	[sflag:s17] =	ssyncset.done $0x0  }
0x9f: {  	s28 =	simm.s32 $0x0;
	[sflag:s17] =	ssyncadd.s32 $0xFFFFC000  }
0xa0: {  	v0 =	vld [tilespmem:s28+$0x4800]  }
0xa1: {  	v1 =	vld [tilespmem:s28+$0x8800]  }
0xa2: {  	v2 =	vld [tilespmem:s28+$0x4810]  }
0xa3: {  	v3 =	vld [tilespmem:s28+$0x8810]  }
0xa4: {  	v4 =	vld [tilespmem:s28+$0x4820]  }
0xa5: {  	v5 =	vld [tilespmem:s28+$0x8820]  }
0xa6: {  	v6 =	vld [tilespmem:s28+$0xC880]  }
0xa7: {  	v7 =	vld [tilespmem:s28+$0xC890]  }
0xa8: {  	s26 =	simm.s32 $0x80;
	v8 =	vld [tilespmem:s28+$0xC8A0];
	v9 =	vsub.f32 v0, v1  }
0xa9: {  	v0 =	vld [tilespmem:s26+$0x4800];
	v10 =	vsub.f32 v2, v3  }
0xaa: {  	v1 =	vld [tilespmem:s26+$0x8800];
	v4 =	vsub.f32 v4, v5;
	v3 =	vmax.f32 v9, $0.0e+00  }
0xab: {  	v2 =	vld [tilespmem:s26+$0x4810];
	v5 =	vmax.f32 v10, $0.0e+00;
	v6 =	vadd.f32 v3, v6  }
0xac: {  	v63 =	vmax.f32 v4, $0.0e+00;
	v4 =	vld [tilespmem:s26+$0x4820];
	v5 =	vadd.f32 v5, v7  }
0xad: {  	s29 =	simm.s32 $0x400;
	v3 =	vld [tilespmem:s26+$0x8810];
	[tilespmem:s28+$0xC880] =	vst v6;
	v6 =	vadd.f32 v63, v8  }
.LBB2_10:
0xae: {  	p0 =	sne.s32 s29, $0xFE00;
	v7 =	vld [tilespmem:s26+$0x8820];
	[tilespmem:s28+$0xC890] =	vst v5  }
0xaf: {  	v5 =	vld [tilespmem:s26+$0xC880];
	[tilespmem:s28+$0xC8A0] =	vst v6;
	s28 =	smov.u32 s26  }
0xb0: {  	v6 =	vld [tilespmem:s28+$0xC890]  }
0xb1: {  	s26 =	sshra.s32 s29, $0x2;
	v8 =	vsub.f32 v0, v1;
	v9 =	vld [tilespmem:s28+$0xC8A0]  }
.Ltmp4:
0xb2: {  	v3 =	vsub.f32 v2, v3;
	v0 =	vld [tilespmem:s26+$0x4800];
	(pc) =	sbr.rel @p0 .LBB2_10-.Ltmp4, $4  }
0xb3: {  	v8 =	vmax.f32 v8, $0.0e+00;
	v1 =	vld [tilespmem:s26+$0x8800];
	v4 =	vsub.f32 v4, v7  }
0xb4: {  	v2 =	vld [tilespmem:s26+$0x4810];
	v7 =	vadd.f32 v8, v5;
	v5 =	vmax.f32 v3, $0.0e+00  }
0xb5: {  	v3 =	vld [tilespmem:s26+$0x8810];
	v5 =	vadd.f32 v5, v6;
	v6 =	vmax.f32 v4, $0.0e+00  }
0xb6: {  	s29 =	sadd.s32 $0x200, s29;
	v4 =	vld [tilespmem:s26+$0x4820];
	[tilespmem:s28+$0xC880] =	vst v7;
	v6 =	vadd.f32 v6, v9  }
0xb7: {  	v7 =	vld [tilespmem:s26+$0x8820];
	[tilespmem:s28+$0xC890] =	vst v5  }
0xb8: {  	v5 =	vld [tilespmem:s26+$0xC880];
	[tilespmem:s28+$0xC8A0] =	vst v6  }
0xb9: {  	v6 =	vld [tilespmem:s26+$0xC890]  }
0xba: {  	v0 =	vsub.f32 v0, v1;
	v1 =	vld [tilespmem:s26+$0xC8A0]  }
0xbb: {  	v2 =	vsub.f32 v2, v3  }
0xbc: {  	v0 =	vmax.f32 v0, $0.0e+00;
	v3 =	vsub.f32 v4, v7  }
0xbd: {  	v2 =	vmax.f32 v2, $0.0e+00;
	v0 =	vadd.f32 v0, v5  }
0xbe: {  	v2 =	vadd.f32 v2, v6;
	v3 =	vmax.f32 v3, $0.0e+00  }
0xbf: {  	[tilespmem:s26+$0xC880] =	vst v0;
	v0 =	vadd.f32 v3, v1  }
0xc0: {  	[tilespmem:s26+$0xC890] =	vst v2  }
0xc1: {  	[tilespmem:s26+$0xC8A0] =	vst v0  }
0xc2: {  	[tilespmem:s14], [sflag:$0x2] =	stream.indirect.gather [hbm4b:s1+s12], $0x80, s20, s12, $0xb8;
	[tilespmem:$0x10880] =	vst v63  }
0xc3: {  	_ =	swait.ge [sflag:s15], $0x4000  }
0xc4: {  	[sflag:s15] =	ssyncset.done $0x0  }
0xc5: {  	s28 =	simm.s32 $0x0;
	[sflag:s15] =	ssyncadd.s32 $0xFFFFC000  }
0xc6: {  	v0 =	vld [tilespmem:s28+$0x800]  }
0xc7: {  	v1 =	vld [tilespmem:s28+$0x8800]  }
0xc8: {  	v2 =	vld [tilespmem:s28+$0x810]  }
0xc9: {  	v3 =	vld [tilespmem:s28+$0x8810]  }
0xca: {  	v4 =	vld [tilespmem:s28+$0x820]  }
0xcb: {  	v5 =	vld [tilespmem:s28+$0x8820]  }
0xcc: {  	v6 =	vld [tilespmem:s28+$0xC880]  }
0xcd: {  	v7 =	vld [tilespmem:s28+$0xC890]  }
0xce: {  	s26 =	simm.s32 $0x80;
	v8 =	vld [tilespmem:s28+$0xC8A0];
	v9 =	vsub.f32 v0, v1  }
0xcf: {  	v0 =	vld [tilespmem:s26+$0x800];
	v10 =	vsub.f32 v2, v3  }
0xd0: {  	v1 =	vld [tilespmem:s26+$0x8800];
	v4 =	vsub.f32 v4, v5;
	v3 =	vmax.f32 v9, $0.0e+00  }
0xd1: {  	v2 =	vld [tilespmem:s26+$0x810];
	v5 =	vmax.f32 v10, $0.0e+00;
	v6 =	vadd.f32 v3, v6  }
0xd2: {  	v63 =	vmax.f32 v4, $0.0e+00;
	v4 =	vld [tilespmem:s26+$0x820];
	v5 =	vadd.f32 v5, v7  }
0xd3: {  	s29 =	simm.s32 $0x400;
	v3 =	vld [tilespmem:s26+$0x8810];
	[tilespmem:s28+$0xC880] =	vst v6;
	v6 =	vadd.f32 v63, v8  }
.LBB2_12:
0xd4: {  	p0 =	sne.s32 s29, $0xFE00;
	v7 =	vld [tilespmem:s26+$0x8820];
	[tilespmem:s28+$0xC890] =	vst v5  }
0xd5: {  	v5 =	vld [tilespmem:s26+$0xC880];
	[tilespmem:s28+$0xC8A0] =	vst v6;
	s28 =	smov.u32 s26  }
0xd6: {  	v6 =	vld [tilespmem:s28+$0xC890]  }
0xd7: {  	s26 =	sshra.s32 s29, $0x2;
	v8 =	vsub.f32 v0, v1;
	v9 =	vld [tilespmem:s28+$0xC8A0]  }
.Ltmp5:
0xd8: {  	v3 =	vsub.f32 v2, v3;
	v0 =	vld [tilespmem:s26+$0x800];
	(pc) =	sbr.rel @p0 .LBB2_12-.Ltmp5, $4  }
0xd9: {  	v8 =	vmax.f32 v8, $0.0e+00;
	v1 =	vld [tilespmem:s26+$0x8800];
	v4 =	vsub.f32 v4, v7  }
0xda: {  	v2 =	vld [tilespmem:s26+$0x810];
	v7 =	vadd.f32 v8, v5;
	v5 =	vmax.f32 v3, $0.0e+00  }
0xdb: {  	v3 =	vld [tilespmem:s26+$0x8810];
	v5 =	vadd.f32 v5, v6;
	v6 =	vmax.f32 v4, $0.0e+00  }
0xdc: {  	s29 =	sadd.s32 $0x200, s29;
	v4 =	vld [tilespmem:s26+$0x820];
	[tilespmem:s28+$0xC880] =	vst v7;
	v6 =	vadd.f32 v6, v9  }
0xdd: {  	v7 =	vld [tilespmem:s26+$0x8820];
	[tilespmem:s28+$0xC890] =	vst v5  }
0xde: {  	v5 =	vld [tilespmem:s26+$0xC880];
	[tilespmem:s28+$0xC8A0] =	vst v6  }
0xdf: {  	v6 =	vld [tilespmem:s26+$0xC890]  }
0xe0: {  	v0 =	vsub.f32 v0, v1;
	v1 =	vld [tilespmem:s26+$0xC8A0]  }
0xe1: {  	v2 =	vsub.f32 v2, v3  }
0xe2: {  	v0 =	vmax.f32 v0, $0.0e+00;
	v3 =	vsub.f32 v4, v7  }
0xe3: {  	v2 =	vmax.f32 v2, $0.0e+00;
	v0 =	vadd.f32 v0, v5  }
0xe4: {  	v2 =	vadd.f32 v2, v6;
	v3 =	vmax.f32 v3, $0.0e+00  }
0xe5: {  	[tilespmem:s26+$0xC880] =	vst v0;
	v0 =	vadd.f32 v3, v1  }
0xe6: {  	[tilespmem:s26+$0xC890] =	vst v2  }
0xe7: {  	[tilespmem:s26+$0xC8A0] =	vst v0  }
0xe8: {  	[tilespmem:s13], [sflag:$0x1] =	stream.indirect.gather [hbm4b:s1+s12], $0x80, s21, s12, $0xb8;
	[tilespmem:$0x10880] =	vst v63  }
0xe9: {  	_ =	swait.ge [sflag:s17], $0x4000  }
0xea: {  	[sflag:s17] =	ssyncset.done $0x0  }
0xeb: {  	s28 =	simm.s32 $0x0;
	[sflag:s17] =	ssyncadd.s32 $0xFFFFC000  }
0xec: {  	v0 =	vld [tilespmem:s28+$0x4800]  }
0xed: {  	v1 =	vld [tilespmem:s28+$0x8800]  }
0xee: {  	v2 =	vld [tilespmem:s28+$0x4810]  }
0xef: {  	v3 =	vld [tilespmem:s28+$0x8810]  }
0xf0: {  	v4 =	vld [tilespmem:s28+$0x4820]  }
0xf1: {  	v5 =	vld [tilespmem:s28+$0x8820]  }
0xf2: {  	v6 =	vld [tilespmem:s28+$0xC880]  }
0xf3: {  	v7 =	vld [tilespmem:s28+$0xC890]  }
0xf4: {  	s26 =	simm.s32 $0x80;
	v8 =	vld [tilespmem:s28+$0xC8A0];
	v9 =	vsub.f32 v0, v1  }
0xf5: {  	v0 =	vld [tilespmem:s26+$0x4800];
	v10 =	vsub.f32 v2, v3  }
0xf6: {  	v1 =	vld [tilespmem:s26+$0x8800];
	v4 =	vsub.f32 v4, v5;
	v3 =	vmax.f32 v9, $0.0e+00  }
0xf7: {  	v2 =	vld [tilespmem:s26+$0x4810];
	v5 =	vmax.f32 v10, $0.0e+00;
	v6 =	vadd.f32 v3, v6  }
0xf8: {  	v63 =	vmax.f32 v4, $0.0e+00;
	v4 =	vld [tilespmem:s26+$0x4820];
	v5 =	vadd.f32 v5, v7  }
0xf9: {  	s29 =	simm.s32 $0x400;
	v3 =	vld [tilespmem:s26+$0x8810];
	[tilespmem:s28+$0xC880] =	vst v6;
	v6 =	vadd.f32 v63, v8  }
.LBB2_14:
0xfa: {  	p0 =	sne.s32 s29, $0xFE00;
	v7 =	vld [tilespmem:s26+$0x8820];
	[tilespmem:s28+$0xC890] =	vst v5  }
0xfb: {  	v5 =	vld [tilespmem:s26+$0xC880];
	[tilespmem:s28+$0xC8A0] =	vst v6;
	s28 =	smov.u32 s26  }
0xfc: {  	v6 =	vld [tilespmem:s28+$0xC890]  }
0xfd: {  	s26 =	sshra.s32 s29, $0x2;
	v8 =	vsub.f32 v0, v1;
	v9 =	vld [tilespmem:s28+$0xC8A0]  }
.Ltmp6:
0xfe: {  	v3 =	vsub.f32 v2, v3;
	v0 =	vld [tilespmem:s26+$0x4800];
	(pc) =	sbr.rel @p0 .LBB2_14-.Ltmp6, $4  }
0xff: {  	v8 =	vmax.f32 v8, $0.0e+00;
	v1 =	vld [tilespmem:s26+$0x8800];
	v4 =	vsub.f32 v4, v7  }
0x100: {  	v2 =	vld [tilespmem:s26+$0x4810];
	v7 =	vadd.f32 v8, v5;
	v5 =	vmax.f32 v3, $0.0e+00  }
0x101: {  	v3 =	vld [tilespmem:s26+$0x8810];
	v5 =	vadd.f32 v5, v6;
	v6 =	vmax.f32 v4, $0.0e+00  }
0x102: {  	s29 =	sadd.s32 $0x200, s29;
	v4 =	vld [tilespmem:s26+$0x4820];
	[tilespmem:s28+$0xC880] =	vst v7;
	v6 =	vadd.f32 v6, v9  }
0x103: {  	v7 =	vld [tilespmem:s26+$0x8820];
	[tilespmem:s28+$0xC890] =	vst v5  }
0x104: {  	v5 =	vld [tilespmem:s26+$0xC880];
	[tilespmem:s28+$0xC8A0] =	vst v6  }
0x105: {  	v6 =	vld [tilespmem:s26+$0xC890]  }
0x106: {  	v0 =	vsub.f32 v0, v1;
	v1 =	vld [tilespmem:s26+$0xC8A0]  }
0x107: {  	v2 =	vsub.f32 v2, v3  }
0x108: {  	v0 =	vmax.f32 v0, $0.0e+00;
	v3 =	vsub.f32 v4, v7  }
0x109: {  	v2 =	vmax.f32 v2, $0.0e+00;
	v0 =	vadd.f32 v0, v5  }
0x10a: {  	v2 =	vadd.f32 v2, v6;
	v3 =	vmax.f32 v3, $0.0e+00  }
0x10b: {  	[tilespmem:s26+$0xC880] =	vst v0;
	v0 =	vadd.f32 v3, v1  }
0x10c: {  	[tilespmem:s26+$0xC890] =	vst v2  }
0x10d: {  	[tilespmem:s26+$0xC8A0] =	vst v0  }
0x10e: {  	[tilespmem:s14], [sflag:$0x2] =	stream.indirect.gather [hbm4b:s1+s12], $0x80, s22, s12, $0xb8;
	[tilespmem:$0x10880] =	vst v63  }
0x10f: {  	_ =	swait.ge [sflag:s15], $0x4000  }
0x110: {  	[sflag:s15] =	ssyncset.done $0x0  }
0x111: {  	s28 =	simm.s32 $0x0;
	[sflag:s15] =	ssyncadd.s32 $0xFFFFC000  }
0x112: {  	v0 =	vld [tilespmem:s28+$0x800]  }
0x113: {  	v1 =	vld [tilespmem:s28+$0x8800]  }
0x114: {  	v2 =	vld [tilespmem:s28+$0x810]  }
0x115: {  	v3 =	vld [tilespmem:s28+$0x8810]  }
0x116: {  	v4 =	vld [tilespmem:s28+$0x820]  }
0x117: {  	v5 =	vld [tilespmem:s28+$0x8820]  }
0x118: {  	v6 =	vld [tilespmem:s28+$0xC880]  }
0x119: {  	v7 =	vld [tilespmem:s28+$0xC890]  }
0x11a: {  	s26 =	simm.s32 $0x80;
	v8 =	vld [tilespmem:s28+$0xC8A0];
	v9 =	vsub.f32 v0, v1  }
0x11b: {  	v0 =	vld [tilespmem:s26+$0x800];
	v10 =	vsub.f32 v2, v3  }
0x11c: {  	v1 =	vld [tilespmem:s26+$0x8800];
	v4 =	vsub.f32 v4, v5;
	v3 =	vmax.f32 v9, $0.0e+00  }
0x11d: {  	v2 =	vld [tilespmem:s26+$0x810];
	v5 =	vmax.f32 v10, $0.0e+00;
	v6 =	vadd.f32 v3, v6  }
0x11e: {  	v63 =	vmax.f32 v4, $0.0e+00;
	v4 =	vld [tilespmem:s26+$0x820];
	v5 =	vadd.f32 v5, v7  }
0x11f: {  	s29 =	simm.s32 $0x400;
	v3 =	vld [tilespmem:s26+$0x8810];
	[tilespmem:s28+$0xC880] =	vst v6;
	v6 =	vadd.f32 v63, v8  }
.LBB2_16:
0x120: {  	p0 =	sne.s32 s29, $0xFE00;
	v7 =	vld [tilespmem:s26+$0x8820];
	[tilespmem:s28+$0xC890] =	vst v5  }
0x121: {  	v5 =	vld [tilespmem:s26+$0xC880];
	[tilespmem:s28+$0xC8A0] =	vst v6;
	s28 =	smov.u32 s26  }
0x122: {  	v6 =	vld [tilespmem:s28+$0xC890]  }
0x123: {  	s26 =	sshra.s32 s29, $0x2;
	v8 =	vsub.f32 v0, v1;
	v9 =	vld [tilespmem:s28+$0xC8A0]  }
.Ltmp7:
0x124: {  	v3 =	vsub.f32 v2, v3;
	v0 =	vld [tilespmem:s26+$0x800];
	(pc) =	sbr.rel @p0 .LBB2_16-.Ltmp7, $4  }
0x125: {  	v8 =	vmax.f32 v8, $0.0e+00;
	v1 =	vld [tilespmem:s26+$0x8800];
	v4 =	vsub.f32 v4, v7  }
0x126: {  	v2 =	vld [tilespmem:s26+$0x810];
	v7 =	vadd.f32 v8, v5;
	v5 =	vmax.f32 v3, $0.0e+00  }
0x127: {  	v3 =	vld [tilespmem:s26+$0x8810];
	v5 =	vadd.f32 v5, v6;
	v6 =	vmax.f32 v4, $0.0e+00  }
0x128: {  	s29 =	sadd.s32 $0x200, s29;
	v4 =	vld [tilespmem:s26+$0x820];
	[tilespmem:s28+$0xC880] =	vst v7;
	v6 =	vadd.f32 v6, v9  }
0x129: {  	v7 =	vld [tilespmem:s26+$0x8820];
	[tilespmem:s28+$0xC890] =	vst v5  }
0x12a: {  	v5 =	vld [tilespmem:s26+$0xC880];
	[tilespmem:s28+$0xC8A0] =	vst v6  }
0x12b: {  	v6 =	vld [tilespmem:s26+$0xC890]  }
0x12c: {  	v0 =	vsub.f32 v0, v1;
	v1 =	vld [tilespmem:s26+$0xC8A0]  }
0x12d: {  	v2 =	vsub.f32 v2, v3  }
0x12e: {  	v0 =	vmax.f32 v0, $0.0e+00;
	v3 =	vsub.f32 v4, v7  }
0x12f: {  	v2 =	vmax.f32 v2, $0.0e+00;
	v0 =	vadd.f32 v0, v5  }
0x130: {  	v2 =	vadd.f32 v2, v6;
	v3 =	vmax.f32 v3, $0.0e+00  }
0x131: {  	[tilespmem:s26+$0xC880] =	vst v0;
	v0 =	vadd.f32 v3, v1  }
0x132: {  	[tilespmem:s26+$0xC890] =	vst v2  }
0x133: {  	[tilespmem:s26+$0xC8A0] =	vst v0  }
0x134: {  	[tilespmem:s13], [sflag:$0x1] =	stream.indirect.gather [hbm4b:s1+s12], $0x80, s23, s12, $0xb8;
	[tilespmem:$0x10880] =	vst v63  }
0x135: {  	_ =	swait.ge [sflag:s17], $0x4000  }
0x136: {  	[sflag:s17] =	ssyncset.done $0x0  }
0x137: {  	s28 =	simm.s32 $0x0;
	[sflag:s17] =	ssyncadd.s32 $0xFFFFC000  }
0x138: {  	v0 =	vld [tilespmem:s28+$0x4800]  }
0x139: {  	v1 =	vld [tilespmem:s28+$0x8800]  }
0x13a: {  	v2 =	vld [tilespmem:s28+$0x4810]  }
0x13b: {  	v3 =	vld [tilespmem:s28+$0x8810]  }
0x13c: {  	v4 =	vld [tilespmem:s28+$0x4820]  }
0x13d: {  	v5 =	vld [tilespmem:s28+$0x8820]  }
0x13e: {  	v6 =	vld [tilespmem:s28+$0xC880]  }
0x13f: {  	v7 =	vld [tilespmem:s28+$0xC890]  }
0x140: {  	s26 =	simm.s32 $0x80;
	v8 =	vld [tilespmem:s28+$0xC8A0];
	v9 =	vsub.f32 v0, v1  }
0x141: {  	v0 =	vld [tilespmem:s26+$0x4800];
	v10 =	vsub.f32 v2, v3  }
0x142: {  	v1 =	vld [tilespmem:s26+$0x8800];
	v4 =	vsub.f32 v4, v5;
	v3 =	vmax.f32 v9, $0.0e+00  }
0x143: {  	v2 =	vld [tilespmem:s26+$0x4810];
	v5 =	vmax.f32 v10, $0.0e+00;
	v6 =	vadd.f32 v3, v6  }
0x144: {  	v63 =	vmax.f32 v4, $0.0e+00;
	v4 =	vld [tilespmem:s26+$0x4820];
	v5 =	vadd.f32 v5, v7  }
0x145: {  	s29 =	simm.s32 $0x400;
	v3 =	vld [tilespmem:s26+$0x8810];
	[tilespmem:s28+$0xC880] =	vst v6;
	v6 =	vadd.f32 v63, v8  }
.LBB2_18:
0x146: {  	p0 =	sne.s32 s29, $0xFE00;
	v7 =	vld [tilespmem:s26+$0x8820];
	[tilespmem:s28+$0xC890] =	vst v5  }
0x147: {  	v5 =	vld [tilespmem:s26+$0xC880];
	[tilespmem:s28+$0xC8A0] =	vst v6;
	s28 =	smov.u32 s26  }
0x148: {  	v6 =	vld [tilespmem:s28+$0xC890]  }
0x149: {  	s26 =	sshra.s32 s29, $0x2;
	v8 =	vsub.f32 v0, v1;
	v9 =	vld [tilespmem:s28+$0xC8A0]  }
.Ltmp8:
0x14a: {  	v3 =	vsub.f32 v2, v3;
	v0 =	vld [tilespmem:s26+$0x4800];
	(pc) =	sbr.rel @p0 .LBB2_18-.Ltmp8, $4  }
0x14b: {  	v8 =	vmax.f32 v8, $0.0e+00;
	v1 =	vld [tilespmem:s26+$0x8800];
	v4 =	vsub.f32 v4, v7  }
0x14c: {  	v2 =	vld [tilespmem:s26+$0x4810];
	v7 =	vadd.f32 v8, v5;
	v5 =	vmax.f32 v3, $0.0e+00  }
0x14d: {  	v3 =	vld [tilespmem:s26+$0x8810];
	v5 =	vadd.f32 v5, v6;
	v6 =	vmax.f32 v4, $0.0e+00  }
0x14e: {  	s29 =	sadd.s32 $0x200, s29;
	v4 =	vld [tilespmem:s26+$0x4820];
	[tilespmem:s28+$0xC880] =	vst v7;
	v6 =	vadd.f32 v6, v9  }
0x14f: {  	v7 =	vld [tilespmem:s26+$0x8820];
	[tilespmem:s28+$0xC890] =	vst v5  }
0x150: {  	v5 =	vld [tilespmem:s26+$0xC880];
	[tilespmem:s28+$0xC8A0] =	vst v6  }
0x151: {  	v6 =	vld [tilespmem:s26+$0xC890]  }
0x152: {  	v0 =	vsub.f32 v0, v1;
	v1 =	vld [tilespmem:s26+$0xC8A0]  }
0x153: {  	v2 =	vsub.f32 v2, v3  }
0x154: {  	v0 =	vmax.f32 v0, $0.0e+00;
	v3 =	vsub.f32 v4, v7  }
0x155: {  	v2 =	vmax.f32 v2, $0.0e+00;
	v0 =	vadd.f32 v0, v5  }
0x156: {  	v2 =	vadd.f32 v2, v6;
	v3 =	vmax.f32 v3, $0.0e+00  }
0x157: {  	[tilespmem:s26+$0xC880] =	vst v0;
	v0 =	vadd.f32 v3, v1  }
0x158: {  	[tilespmem:s26+$0xC890] =	vst v2  }
0x159: {  	[tilespmem:s26+$0xC8A0] =	vst v0  }
0x15a: {  	_ =	swait.ge [sflag:s15], $0x4000  }
0x15b: {  	[sflag:s15] =	ssyncset.done $0x0  }
0x15c: {  	s26 =	simm.s32 $0x0;
	[sflag:s15] =	ssyncadd.s32 $0xFFFFC000  }
0x15d: {  	v0 =	vld [tilespmem:s26+$0x800]  }
0x15e: {  	v1 =	vld [tilespmem:s26+$0x8800]  }
0x15f: {  	v2 =	vld [tilespmem:s26+$0x810]  }
0x160: {  	v3 =	vld [tilespmem:s26+$0x8810]  }
0x161: {  	v4 =	vld [tilespmem:s26+$0x820]  }
0x162: {  	v5 =	vld [tilespmem:s26+$0x8820]  }
0x163: {  	v6 =	vld [tilespmem:s26+$0xC880]  }
0x164: {  	v7 =	vld [tilespmem:s26+$0xC890]  }
0x165: {  	s29 =	simm.s32 $0x80;
	v8 =	vld [tilespmem:s26+$0xC8A0];
	v9 =	vsub.f32 v0, v1  }
0x166: {  	v0 =	vld [tilespmem:s29+$0x800];
	v10 =	vsub.f32 v2, v3  }
0x167: {  	v1 =	vld [tilespmem:s29+$0x8800];
	v4 =	vsub.f32 v4, v5;
	v3 =	vmax.f32 v9, $0.0e+00  }
0x168: {  	v2 =	vld [tilespmem:s29+$0x810];
	v5 =	vmax.f32 v10, $0.0e+00;
	v6 =	vadd.f32 v3, v6  }
0x169: {  	v63 =	vmax.f32 v4, $0.0e+00;
	v4 =	vld [tilespmem:s29+$0x820];
	v5 =	vadd.f32 v5, v7  }
0x16a: {  	s31 =	simm.s32 $0x400;
	s30 =	simm.s32 $0x0;
	s28 =	simm.s32 $0x200;
	v3 =	vld [tilespmem:s29+$0x8810];
	[tilespmem:s26+$0xC880] =	vst v6;
	v6 =	vadd.f32 v63, v8  }
.LBB2_20:
0x16b: {  	p0 =	sne.s32 s31, $0xFE00;
	v7 =	vld [tilespmem:s29+$0x8820];
	[tilespmem:s30+$0xC890] =	vst v5  }
0x16c: {  	v5 =	vld [tilespmem:s29+$0xC880];
	[tilespmem:s30+$0xC8A0] =	vst v6;
	s30 =	smov.u32 s29  }
0x16d: {  	v6 =	vld [tilespmem:s30+$0xC890]  }
0x16e: {  	s29 =	sshra.s32 s31, $0x2;
	v8 =	vsub.f32 v0, v1;
	v9 =	vld [tilespmem:s30+$0xC8A0]  }
.Ltmp9:
0x16f: {  	v3 =	vsub.f32 v2, v3;
	v0 =	vld [tilespmem:s29+$0x800];
	(pc) =	sbr.rel @p0 .LBB2_20-.Ltmp9, $4  }
0x170: {  	v8 =	vmax.f32 v8, $0.0e+00;
	v1 =	vld [tilespmem:s29+$0x8800];
	v4 =	vsub.f32 v4, v7  }
0x171: {  	v2 =	vld [tilespmem:s29+$0x810];
	v7 =	vadd.f32 v8, v5;
	v5 =	vmax.f32 v3, $0.0e+00  }
0x172: {  	v3 =	vld [tilespmem:s29+$0x8810];
	v5 =	vadd.f32 v5, v6;
	v6 =	vmax.f32 v4, $0.0e+00  }
0x173: {  	s31 =	sadd.s32 $0x200, s31;
	v4 =	vld [tilespmem:s29+$0x820];
	[tilespmem:s30+$0xC880] =	vst v7;
	v6 =	vadd.f32 v6, v9  }
0x174: {  	v7 =	vld [tilespmem:s29+$0x8820];
	[tilespmem:s30+$0xC890] =	vst v5  }
0x175: {  	v5 =	vld [tilespmem:s29+$0xC880];
	[tilespmem:s30+$0xC8A0] =	vst v6  }
0x176: {  	v6 =	vld [tilespmem:s29+$0xC890]  }
0x177: {  	v0 =	vsub.f32 v0, v1;
	v1 =	vld [tilespmem:s29+$0xC8A0]  }
0x178: {  	v2 =	vsub.f32 v2, v3  }
0x179: {  	v0 =	vmax.f32 v0, $0.0e+00;
	v3 =	vsub.f32 v4, v7  }
0x17a: {  	v2 =	vmax.f32 v2, $0.0e+00;
	v0 =	vadd.f32 v0, v5  }
0x17b: {  	v2 =	vadd.f32 v2, v6;
	v3 =	vmax.f32 v3, $0.0e+00  }
0x17c: {  	[tilespmem:s29+$0xC880] =	vst v0;
	v0 =	vadd.f32 v3, v1  }
0x17d: {  	[tilespmem:s29+$0xC890] =	vst v2  }
0x17e: {  	[tilespmem:s29+$0xC8A0] =	vst v0  }
0x17f: {  	v0 =	vld [tilespmem:s26+$0xC880]  }
0x180: {  	v1 =	vld [tilespmem:s26+$0xC890]  }
.LBB2_22:
0x181: {  	p0 =	sne.s32 s28, $0xFE00;
	v2 =	vld [tilespmem:s26+$0xC8A0];
	_ =	sdelay $0x2  }
.Ltmp10:
0x182: {  	v0 =	vmul.f32 $1.111111120e-01, v0;
	(pc) =	sbr.rel @p0 .LBB2_22-.Ltmp10, $4  }
0x183: {  	v1 =	vmul.f32 $1.111111120e-01, v1  }
0x184: {  	s29 =	sshra.s32 s28, $0x2;
	[tilespmem:s26+$0xC880] =	vst v0;
	v2 =	vmul.f32 $1.111111120e-01, v2  }
0x185: {  	v0 =	vld [tilespmem:s29+$0xC880];
	[tilespmem:s26+$0xC890] =	vst v1  }
0x186: {  	s28 =	sadd.s32 $0x200, s28;
	v1 =	vld [tilespmem:s29+$0xC890];
	[tilespmem:s26+$0xC8A0] =	vst v2;
	s26 =	smov.u32 s29  }
0x187: {  	v2 =	vld [tilespmem:s26+$0xC8A0];
	_ =	sdelay $0x2  }
0x188: {  	v0 =	vmul.f32 $1.111111120e-01, v0  }
0x189: {  	v1 =	vmul.f32 $1.111111120e-01, v1  }
0x18a: {  	s25 =	sadd.s32 $0x1, s25;
	[tilespmem:s26+$0xC880] =	vst v0;
	v63 =	vmul.f32 $1.111111120e-01, v2  }
0x18b: {  	p0 =	sne.s32 s25, s8;
	[tilespmem:s26+$0xC890] =	vst v1  }
.Ltmp11:
0x18c: {  	[tilespmem:s26+$0xC8A0] =	vst v63;
	(pc) =	sbr.rel @p0 .LBB2_1-.Ltmp11, $4  }
0x18d: {  	[hbm4b:s7+s3] =	stream.linear.scatter [tilespmem:s24], [sflag:$0x3], $0x4000, $0x38;
	[tilespmem:$0x10880] =	vst v63  }
0x18e: {  	_ =	swait.ge [sflag:s9], $0x4000  }
0x18f: {  	[sflag:s9] =	ssyncset.done $0x0  }
0x190: {  	[sflag:s9] =	ssyncadd.s32 $0xFFFFC000  }
0x191: {  	_ =	sfence.sel $0x180000  }
0x192: {  	[bflag:$0x0] =	sbarrier.arrive $0xFFFF  }
0x193: {  	p0 =	sne.s32 s2, $0x0;
	_ =	strace $0x90000047  }
0x194: {  	s0 =	sadd.s32 @!p0 $0x100000, s0;
	[bflag:$0x2] =	sbarrier.arrive $0xFFFF  }
0x195: {  	[sflag:s0] =	ssyncadd.tile.s32 @!p0 $0x1;
	_ =	shalt  }
.Lfunc_end2:
_tile_overlayer_lowered:
.L_overlay_start_2:
0x196: {  	(tag) =	ssettag $0x2  }
0x197: {  	s0 =	rddreg [dreg:$0x0];
	s2 =	stileid.u32  }
0x198: {  	s1 =	rddreg [dreg:$0x1];
	p0 =	sne.s32 s2, $0x0  }
0x199: {  	s3 =	rddreg [dreg:$0x2];
	[bflag:$0x3] =	sbarrier.arrive $0xFFFF;
	s2 =	simm.s32 @!p0 $0x1C03  }
0x19a: {  	[timem:s3], [sflag:s2] =	dma.local @!p0 [hbm:s0], s1  }
0x19b: {  	s0 =	simm.s32 @!p0 $0x3  }
0x19c: {  	_ =	swait.ge @!p0 [sflag:s0], s1  }
0x19d: {  	s1 =	ssub.s32 @!p0 $0x0, s1;
	[sflag:s0] =	ssyncset.done @!p0 $0x0  }
0x19e: {  	[sflag:s0] =	ssyncadd.s32 @!p0 s1  }
0x19f: {  	[bflag:$0x3] =	sbarrier.arrive $0xFFFF  }
0x1a0: {  	_ =	shalt  }

</sc_bundles>
